<compile_context>
chip_gen: v7x
topology: tpu7x:2x2x1
jax: 0.10.2.dev20260603
libtpu: 0.0.44.dev20260713+nightly
codegen_flags: <defaults>
</compile_context>

<pallas_src>
import functools

import jax
import jax.numpy as jnp
from jax import lax
from jax.experimental import pallas as pl
from jax.experimental.pallas import tpu as pltpu
from jax.experimental.pallas import tpu_sc as plsc

VOCAB = 1000000
EMBED_DIM = 128
FF_DIM = 100
OUT_DIM = 9
PAD_DIM = 16
PROWS = VOCAB // 8

NC = 2
NS = 16
NW = NC * NS

PBLK = 1000


def _table_body(e0, e1, e2, e3, e4, e5, e6, e7, w1_ref, b1_ref, w2_ref, b2_ref,
                out_ref):
    w1 = w1_ref[...]
    b1 = b1_ref[...]
    w2 = w2_ref[...]
    b2 = b2_ref[...]
    cols = []
    for e_ref in (e0, e1, e2, e3, e4, e5, e6, e7):
        h = jnp.dot(e_ref[...], w1, preferred_element_type=jnp.float32)
        h = jnp.maximum(h + b1, 0.0)
        cols.append(jnp.dot(h, w2, preferred_element_type=jnp.float32) + b2)
    out_ref[...] = jnp.concatenate(cols, axis=1)


def _make_table(emb, w1, b1, w2p, b2p):
    grid = PROWS // PBLK
    emb_specs = [
        pl.BlockSpec((PBLK, EMBED_DIM), functools.partial(lambda q, i: (q * grid + i, 0), q))
        for q in range(8)
    ]
    return pl.pallas_call(
        _table_body,
        grid=(grid,),
        in_specs=emb_specs + [
            pl.BlockSpec((EMBED_DIM, FF_DIM), lambda i: (0, 0)),
            pl.BlockSpec((1, FF_DIM), lambda i: (0, 0)),
            pl.BlockSpec((FF_DIM, PAD_DIM), lambda i: (0, 0)),
            pl.BlockSpec((1, PAD_DIM), lambda i: (0, 0)),
        ],
        out_specs=pl.BlockSpec((PBLK, 128), lambda i: (i, 0)),
        out_shape=jax.ShapeDtypeStruct((PROWS, 128), jnp.float32),
    )(*([emb] * 8), w1, b1, w2p, b2p)


def _idx_body(x_ref, out_ref):
    v = x_ref[...]
    q = lax.div(v, PROWS)
    p = v - q * PROWS
    out_ref[...] = p * 8 + q


def _transform_idx(xf, rows, cols):
    x2 = xf.reshape(rows, cols)
    return pl.pallas_call(
        _idx_body,
        grid=(1,),
        in_specs=[pl.BlockSpec((rows, cols), lambda i: (0, 0))],
        out_specs=pl.BlockSpec((rows, cols), lambda i: (0, 0)),
        out_shape=jax.ShapeDtypeStruct((rows, cols), jnp.int32),
    )(x2).reshape(-1)


def _make_gather(n_tokens, chunk, nbuf):
    b_per_w = n_tokens // NW
    n_chunks = b_per_w // chunk
    mesh = plsc.VectorSubcoreMesh(core_axis_name="c", subcore_axis_name="s")

    @functools.partial(
        pl.kernel,
        out_type=jax.ShapeDtypeStruct((n_tokens, PAD_DIM), jnp.float32),
        mesh=mesh,
        compiler_params=pltpu.CompilerParams(use_tc_tiling_on_sc=False),
        scratch_types=(
            [pltpu.VMEM((b_per_w,), jnp.int32)]
            + [pltpu.VMEM((chunk, PAD_DIM), jnp.float32)] * nbuf
            + [pltpu.SemaphoreType.DMA] * (2 * nbuf)
        ),
    )
    def gather_kernel(table_hbm, idx_hbm, out_hbm, idx_all, *bufs):
        rows = bufs[:nbuf]
        gsem = bufs[nbuf:2 * nbuf]
        osem = bufs[2 * nbuf:3 * nbuf]
        wid = lax.axis_index("s") * NC + lax.axis_index("c")
        base = wid * b_per_w
        pltpu.sync_copy(idx_hbm.at[pl.ds(base, b_per_w)], idx_all)

        gh = [None] * nbuf
        oh = [None] * nbuf
        for j in range(min(nbuf - 1, n_chunks)):
            gh[j] = pltpu.async_copy(
                table_hbm.at[idx_all.at[pl.ds(j * chunk, chunk)]],
                rows[j], gsem[j])
        for i in range(n_chunks):
            b = i % nbuf
            nxt = i + nbuf - 1
            if nxt < n_chunks:
                nb = nxt % nbuf
                if oh[nb] is not None:
                    oh[nb].wait()
                    oh[nb] = None
                gh[nb] = pltpu.async_copy(
                    table_hbm.at[idx_all.at[pl.ds(nxt * chunk, chunk)]],
                    rows[nb], gsem[nb])
            gh[b].wait()
            oh[b] = pltpu.async_copy(
                rows[b],
                out_hbm.at[pl.ds(base + i * chunk, chunk)], osem[b])
        for j in range(nbuf):
            if oh[j] is not None:
                oh[j].wait()

    return gather_kernel


def kernel(x, emb, W1, b1, W2, b2):
    B, S = x.shape
    w2p = jnp.pad(W2, ((0, 0), (0, PAD_DIM - OUT_DIM)))
    b2p = jnp.pad(b2, (0, PAD_DIM - OUT_DIM)).reshape(1, PAD_DIM)
    b1r = b1.reshape(1, FF_DIM)

    packed = _make_table(emb, W1, b1r, w2p, b2p)
    table = packed.reshape(VOCAB, PAD_DIM)

    xf = x.reshape(-1).astype(jnp.int32)
    xf2 = _transform_idx(xf, 100, (B * S) // 100)
    gathered = _make_gather(xf.shape[0], 1280, 5)(table, xf2)
    return gathered[:, :OUT_DIM].reshape(B, S, OUT_DIM)

# --- scband reference (transcript-rebuilt; emitter-appended) ---
"""Pipeline reference for scband-nertagger-87419764343356 (READ-ONLY COPY).

The authoritative reference and input builder live on the scoring server;
editing this copy changes nothing except your own understanding.
"""

import jax, jax.numpy as jnp
import numpy as np

VOCAB = 1000000
EMBED_DIM = 128
FF_DIM = 100
OUT_DIM = 9
BATCH = 4096
SEQ = 200


def setup_inputs(seed: int = 0) -> dict:
    key = jax.random.key(seed)
    ks = jax.random.split(key, 6)
    x = jax.random.randint(ks[0], (BATCH, SEQ), 0, VOCAB, dtype=jnp.int64) if jax.config.jax_enable_x64 else jax.random.randint(ks[0], (BATCH, SEQ), 0, VOCAB, dtype=jnp.int32)
    emb = jax.random.normal(ks[1], (VOCAB, EMBED_DIM), dtype=jnp.float32) * 0.02
    W1 = jax.random.normal(ks[2], (EMBED_DIM, FF_DIM), dtype=jnp.float32) * (1.0 / np.sqrt(EMBED_DIM))
    b1 = jnp.zeros((FF_DIM,), dtype=jnp.float32)
    W2 = jax.random.normal(ks[3], (FF_DIM, OUT_DIM), dtype=jnp.float32) * (1.0 / np.sqrt(FF_DIM))
    b2 = jnp.zeros((OUT_DIM,), dtype=jnp.float32)
    return {"x": x, "emb": emb, "W1": W1, "b1": b1, "W2": W2, "b2": b2}


def reference(x, emb, W1, b1, W2, b2):
    # nn.Embedding lookup (padding_idx only affects gradients, not fwd)
    h = jnp.take(emb, x, axis=0)            # [B, S, EMBED_DIM]
    h = h @ W1 + b1                          # feedforward Linear
    h = jax.nn.relu(h)                       # torch.relu
    # dropout is identity in inference mode
    out = h @ W2 + b2                        # out Linear -> [B, S, OUT_DIM]
    return out

if __name__ == "__main__":
    import jax
    _d = setup_inputs()
    print(jax.jit(kernel)(*tuple(_d.values())))

</pallas_src>

<mosaic_0001>
#map = affine_map<(d0, d1) -> (0, 0)>
#map1 = affine_map<(d0, d1) -> (0)>
module attributes {stable_mosaic.version = 14 : i64} {
  func.func @gather_kernel(%arg0: i32, %arg1: i32, %arg2: memref<1000000x16xf32, #tpu.memory_space<hbm>>, %arg3: memref<819200xi32, #tpu.memory_space<hbm>>, %arg4: memref<819200x16xf32, #tpu.memory_space<hbm>>, %arg5: memref<25600xi32, #tpu.memory_space<vmem>>, %arg6: memref<1280x16xf32, #tpu.memory_space<vmem>>, %arg7: memref<1280x16xf32, #tpu.memory_space<vmem>>, %arg8: memref<1280x16xf32, #tpu.memory_space<vmem>>, %arg9: memref<1280x16xf32, #tpu.memory_space<vmem>>, %arg10: memref<1280x16xf32, #tpu.memory_space<vmem>>, %arg11: memref<!tpu.dma_semaphore, #tpu.memory_space<semaphore_mem>>, %arg12: memref<!tpu.dma_semaphore, #tpu.memory_space<semaphore_mem>>, %arg13: memref<!tpu.dma_semaphore, #tpu.memory_space<semaphore_mem>>, %arg14: memref<!tpu.dma_semaphore, #tpu.memory_space<semaphore_mem>>, %arg15: memref<!tpu.dma_semaphore, #tpu.memory_space<semaphore_mem>>, %arg16: memref<!tpu.dma_semaphore, #tpu.memory_space<semaphore_mem>>, %arg17: memref<!tpu.dma_semaphore, #tpu.memory_space<semaphore_mem>>, %arg18: memref<!tpu.dma_semaphore, #tpu.memory_space<semaphore_mem>>, %arg19: memref<!tpu.dma_semaphore, #tpu.memory_space<semaphore_mem>>, %arg20: memref<!tpu.dma_semaphore, #tpu.memory_space<semaphore_mem>>) attributes {dimension_semantics = [#tpu.dimension_semantics<core_parallel>, #tpu.dimension_semantics<subcore_parallel>], iteration_bounds = array<i64: 2, 16>, scalar_prefetch = 0 : i64, scratch_operands = 16 : i64, tpu.core_type = #tpu.core_type<sc_vector_subcore>, window_params = [{transform_indices = #map}, {transform_indices = #map1}, {transform_indices = #map}]} {
    %mul3A = arith.constant 2 : i32
    %mul3A_0 = arith.muli %arg1, %mul3A : i32
    %add3A = arith.addi %mul3A_0, %arg0 : i32
    %mul3A_1 = arith.constant 25600 : i32
    %mul3A_2 = arith.muli %add3A, %mul3A_1 : i32
    "tpu.region"() ({
      %run_scoped3A = tpu.sem_alloc : memref<!tpu.dma_semaphore, #tpu.memory_space<semaphore_mem>>
      %dma_start3A_401 = tpu.memref_slice %arg3[%mul3A_2] : memref<819200xi32, #tpu.memory_space<hbm>> -> memref<25600xi32, #tpu.memory_space<hbm>>
      %dma_start3A_402 = tpu.memref_slice %arg3[%mul3A_2] : memref<819200xi32, #tpu.memory_space<hbm>> -> memref<25600xi32, #tpu.memory_space<hbm>>
      tpu.enqueue_dma source(%dma_start3A_402 : memref<25600xi32, #tpu.memory_space<hbm>>) target(%arg5 : memref<25600xi32, #tpu.memory_space<vmem>>) target_semaphore(%run_scoped3A : memref<!tpu.dma_semaphore, #tpu.memory_space<semaphore_mem>>)
      %dma_wait3A_403 = tpu.memref_slice %arg3[%mul3A_2] : memref<819200xi32, #tpu.memory_space<hbm>> -> memref<25600xi32, #tpu.memory_space<hbm>>
      %dma_wait3A_404 = tpu.memref_slice %arg3[%mul3A_2] : memref<819200xi32, #tpu.memory_space<hbm>> -> memref<25600xi32, #tpu.memory_space<hbm>>
      tpu.wait_dma2 semaphore(%run_scoped3A : memref<!tpu.dma_semaphore, #tpu.memory_space<semaphore_mem>>) src(%dma_wait3A_404 : memref<25600xi32, #tpu.memory_space<hbm>>) dst(%arg5 : memref<25600xi32, #tpu.memory_space<vmem>>)
      tpu.yield
    }) : () -> ()
    %dma_start3A = arith.constant 0 : i32
    %dma_start3A_3 = tpu.memref_slice %arg5[%dma_start3A] : memref<25600xi32, #tpu.memory_space<vmem>> -> memref<1280xi32, #tpu.memory_space<vmem>>
    %dma_start3A_4 = arith.constant 0 : i32
    %dma_start3A_5 = arith.constant 0 : i32
    %dma_start3A_6 = tpu.memref_slice %arg2[%dma_start3A_4, %dma_start3A_5] : memref<1000000x16xf32, #tpu.memory_space<hbm>> -> memref<1000000x16xf32, #tpu.memory_space<hbm>>
    tpu.enqueue_indirect_dma source(%dma_start3A_6 : memref<1000000x16xf32, #tpu.memory_space<hbm>>) target(%arg6 : memref<1280x16xf32, #tpu.memory_space<vmem>>) offsets(%dma_start3A_3 : memref<1280xi32, #tpu.memory_space<vmem>>) semaphore(%arg11 : memref<!tpu.dma_semaphore, #tpu.memory_space<semaphore_mem>>)
    %dma_start3A_7 = arith.constant 1280 : i32
    %dma_start3A_8 = tpu.memref_slice %arg5[%dma_start3A_7] : memref<25600xi32, #tpu.memory_space<vmem>> -> memref<1280xi32, #tpu.memory_space<vmem>>
    %dma_start3A_9 = arith.constant 0 : i32
    %dma_start3A_10 = arith.constant 0 : i32
    %dma_start3A_11 = tpu.memref_slice %arg2[%dma_start3A_9, %dma_start3A_10] : memref<1000000x16xf32, #tpu.memory_space<hbm>> -> memref<1000000x16xf32, #tpu.memory_space<hbm>>
    tpu.enqueue_indirect_dma source(%dma_start3A_11 : memref<1000000x16xf32, #tpu.memory_space<hbm>>) target(%arg7 : memref<1280x16xf32, #tpu.memory_space<vmem>>) offsets(%dma_start3A_8 : memref<1280xi32, #tpu.memory_space<vmem>>) semaphore(%arg12 : memref<!tpu.dma_semaphore, #tpu.memory_space<semaphore_mem>>)
    %dma_start3A_12 = arith.constant 2560 : i32
    %dma_start3A_13 = tpu.memref_slice %arg5[%dma_start3A_12] : memref<25600xi32, #tpu.memory_space<vmem>> -> memref<1280xi32, #tpu.memory_space<vmem>>
    %dma_start3A_14 = arith.constant 0 : i32
    %dma_start3A_15 = arith.constant 0 : i32
    %dma_start3A_16 = tpu.memref_slice %arg2[%dma_start3A_14, %dma_start3A_15] : memref<1000000x16xf32, #tpu.memory_space<hbm>> -> memref<1000000x16xf32, #tpu.memory_space<hbm>>
    tpu.enqueue_indirect_dma source(%dma_start3A_16 : memref<1000000x16xf32, #tpu.memory_space<hbm>>) target(%arg8 : memref<1280x16xf32, #tpu.memory_space<vmem>>) offsets(%dma_start3A_13 : memref<1280xi32, #tpu.memory_space<vmem>>) semaphore(%arg13 : memref<!tpu.dma_semaphore, #tpu.memory_space<semaphore_mem>>)
    %dma_start3A_17 = arith.constant 3840 : i32
    %dma_start3A_18 = tpu.memref_slice %arg5[%dma_start3A_17] : memref<25600xi32, #tpu.memory_space<vmem>> -> memref<1280xi32, #tpu.memory_space<vmem>>
    %dma_start3A_19 = arith.constant 0 : i32
    %dma_start3A_20 = arith.constant 0 : i32
    %dma_start3A_21 = tpu.memref_slice %arg2[%dma_start3A_19, %dma_start3A_20] : memref<1000000x16xf32, #tpu.memory_space<hbm>> -> memref<1000000x16xf32, #tpu.memory_space<hbm>>
    tpu.enqueue_indirect_dma source(%dma_start3A_21 : memref<1000000x16xf32, #tpu.memory_space<hbm>>) target(%arg9 : memref<1280x16xf32, #tpu.memory_space<vmem>>) offsets(%dma_start3A_18 : memref<1280xi32, #tpu.memory_space<vmem>>) semaphore(%arg14 : memref<!tpu.dma_semaphore, #tpu.memory_space<semaphore_mem>>)
    %dma_start3A_22 = arith.constant 5120 : i32
    %dma_start3A_23 = tpu.memref_slice %arg5[%dma_start3A_22] : memref<25600xi32, #tpu.memory_space<vmem>> -> memref<1280xi32, #tpu.memory_space<vmem>>
    %dma_start3A_24 = arith.constant 0 : i32
    %dma_start3A_25 = arith.constant 0 : i32
    %dma_start3A_26 = tpu.memref_slice %arg2[%dma_start3A_24, %dma_start3A_25] : memref<1000000x16xf32, #tpu.memory_space<hbm>> -> memref<1000000x16xf32, #tpu.memory_space<hbm>>
    tpu.enqueue_indirect_dma source(%dma_start3A_26 : memref<1000000x16xf32, #tpu.memory_space<hbm>>) target(%arg10 : memref<1280x16xf32, #tpu.memory_space<vmem>>) offsets(%dma_start3A_23 : memref<1280xi32, #tpu.memory_space<vmem>>) semaphore(%arg15 : memref<!tpu.dma_semaphore, #tpu.memory_space<semaphore_mem>>)
    %dma_wait3A = arith.constant 0 : i32
    %dma_wait3A_27 = tpu.memref_slice %arg5[%dma_wait3A] : memref<25600xi32, #tpu.memory_space<vmem>> -> memref<1280xi32, #tpu.memory_space<vmem>>
    %dma_wait3A_28 = arith.constant 0 : i32
    %dma_wait3A_29 = arith.constant 0 : i32
    %dma_wait3A_30 = tpu.memref_slice %arg2[%dma_wait3A_28, %dma_wait3A_29] : memref<1000000x16xf32, #tpu.memory_space<hbm>> -> memref<1000000x16xf32, #tpu.memory_space<hbm>>
    tpu.wait_indirect_dma semaphore(%arg11 : memref<!tpu.dma_semaphore, #tpu.memory_space<semaphore_mem>>) src(%dma_wait3A_30 : memref<1000000x16xf32, #tpu.memory_space<hbm>>) dst(%arg6 : memref<1280x16xf32, #tpu.memory_space<vmem>>)
    %add3A_31 = arith.constant 0 : i32
    %add3A_32 = arith.addi %mul3A_2, %add3A_31 : i32
    %dma_start3A_33 = arith.constant 0 : i32
    %dma_start3A_34 = tpu.memref_slice %arg4[%add3A_32, %dma_start3A_33] : memref<819200x16xf32, #tpu.memory_space<hbm>> -> memref<1280x16xf32, #tpu.memory_space<hbm>>
    %dma_start3A_35 = arith.constant 0 : i32
    %dma_start3A_36 = tpu.memref_slice %arg4[%add3A_32, %dma_start3A_35] : memref<819200x16xf32, #tpu.memory_space<hbm>> -> memref<1280x16xf32, #tpu.memory_space<hbm>>
    tpu.enqueue_dma source(%arg6 : memref<1280x16xf32, #tpu.memory_space<vmem>>) target(%dma_start3A_36 : memref<1280x16xf32, #tpu.memory_space<hbm>>) target_semaphore(%arg16 : memref<!tpu.dma_semaphore, #tpu.memory_space<semaphore_mem>>)
    %dma_wait3A_37 = arith.constant 0 : i32
    %dma_wait3A_38 = tpu.memref_slice %arg4[%add3A_32, %dma_wait3A_37] : memref<819200x16xf32, #tpu.memory_space<hbm>> -> memref<1280x16xf32, #tpu.memory_space<hbm>>
    %dma_wait3A_39 = arith.constant 0 : i32
    %dma_wait3A_40 = tpu.memref_slice %arg4[%add3A_32, %dma_wait3A_39] : memref<819200x16xf32, #tpu.memory_space<hbm>> -> memref<1280x16xf32, #tpu.memory_space<hbm>>
    tpu.wait_dma2 semaphore(%arg16 : memref<!tpu.dma_semaphore, #tpu.memory_space<semaphore_mem>>) src(%arg6 : memref<1280x16xf32, #tpu.memory_space<vmem>>) dst(%dma_wait3A_40 : memref<1280x16xf32, #tpu.memory_space<hbm>>)
    %dma_start3A_41 = arith.constant 6400 : i32
    %dma_start3A_42 = tpu.memref_slice %arg5[%dma_start3A_41] : memref<25600xi32, #tpu.memory_space<vmem>> -> memref<1280xi32, #tpu.memory_space<vmem>>
    %dma_start3A_43 = arith.constant 0 : i32
    %dma_start3A_44 = arith.constant 0 : i32
    %dma_start3A_45 = tpu.memref_slice %arg2[%dma_start3A_43, %dma_start3A_44] : memref<1000000x16xf32, #tpu.memory_space<hbm>> -> memref<1000000x16xf32, #tpu.memory_space<hbm>>
    tpu.enqueue_indirect_dma source(%dma_start3A_45 : memref<1000000x16xf32, #tpu.memory_space<hbm>>) target(%arg6 : memref<1280x16xf32, #tpu.memory_space<vmem>>) offsets(%dma_start3A_42 : memref<1280xi32, #tpu.memory_space<vmem>>) semaphore(%arg11 : memref<!tpu.dma_semaphore, #tpu.memory_space<semaphore_mem>>)
    %dma_wait3A_46 = arith.constant 1280 : i32
    %dma_wait3A_47 = tpu.memref_slice %arg5[%dma_wait3A_46] : memref<25600xi32, #tpu.memory_space<vmem>> -> memref<1280xi32, #tpu.memory_space<vmem>>
    %dma_wait3A_48 = arith.constant 0 : i32
    %dma_wait3A_49 = arith.constant 0 : i32
    %dma_wait3A_50 = tpu.memref_slice %arg2[%dma_wait3A_48, %dma_wait3A_49] : memref<1000000x16xf32, #tpu.memory_space<hbm>> -> memref<1000000x16xf32, #tpu.memory_space<hbm>>
    tpu.wait_indirect_dma semaphore(%arg12 : memref<!tpu.dma_semaphore, #tpu.memory_space<semaphore_mem>>) src(%dma_wait3A_50 : memref<1000000x16xf32, #tpu.memory_space<hbm>>) dst(%arg7 : memref<1280x16xf32, #tpu.memory_space<vmem>>)
    %add3A_51 = arith.constant 1280 : i32
    %add3A_52 = arith.addi %mul3A_2, %add3A_51 : i32
    %dma_start3A_53 = arith.constant 0 : i32
    %dma_start3A_54 = tpu.memref_slice %arg4[%add3A_52, %dma_start3A_53] : memref<819200x16xf32, #tpu.memory_space<hbm>> -> memref<1280x16xf32, #tpu.memory_space<hbm>>
    %dma_start3A_55 = arith.constant 0 : i32
    %dma_start3A_56 = tpu.memref_slice %arg4[%add3A_52, %dma_start3A_55] : memref<819200x16xf32, #tpu.memory_space<hbm>> -> memref<1280x16xf32, #tpu.memory_space<hbm>>
    tpu.enqueue_dma source(%arg7 : memref<1280x16xf32, #tpu.memory_space<vmem>>) target(%dma_start3A_56 : memref<1280x16xf32, #tpu.memory_space<hbm>>) target_semaphore(%arg17 : memref<!tpu.dma_semaphore, #tpu.memory_space<semaphore_mem>>)
    %dma_wait3A_57 = arith.constant 0 : i32
    %dma_wait3A_58 = tpu.memref_slice %arg4[%add3A_52, %dma_wait3A_57] : memref<819200x16xf32, #tpu.memory_space<hbm>> -> memref<1280x16xf32, #tpu.memory_space<hbm>>
    %dma_wait3A_59 = arith.constant 0 : i32
    %dma_wait3A_60 = tpu.memref_slice %arg4[%add3A_52, %dma_wait3A_59] : memref<819200x16xf32, #tpu.memory_space<hbm>> -> memref<1280x16xf32, #tpu.memory_space<hbm>>
    tpu.wait_dma2 semaphore(%arg17 : memref<!tpu.dma_semaphore, #tpu.memory_space<semaphore_mem>>) src(%arg7 : memref<1280x16xf32, #tpu.memory_space<vmem>>) dst(%dma_wait3A_60 : memref<1280x16xf32, #tpu.memory_space<hbm>>)
    %dma_start3A_61 = arith.constant 7680 : i32
    %dma_start3A_62 = tpu.memref_slice %arg5[%dma_start3A_61] : memref<25600xi32, #tpu.memory_space<vmem>> -> memref<1280xi32, #tpu.memory_space<vmem>>
    %dma_start3A_63 = arith.constant 0 : i32
    %dma_start3A_64 = arith.constant 0 : i32
    %dma_start3A_65 = tpu.memref_slice %arg2[%dma_start3A_63, %dma_start3A_64] : memref<1000000x16xf32, #tpu.memory_space<hbm>> -> memref<1000000x16xf32, #tpu.memory_space<hbm>>
    tpu.enqueue_indirect_dma source(%dma_start3A_65 : memref<1000000x16xf32, #tpu.memory_space<hbm>>) target(%arg7 : memref<1280x16xf32, #tpu.memory_space<vmem>>) offsets(%dma_start3A_62 : memref<1280xi32, #tpu.memory_space<vmem>>) semaphore(%arg12 : memref<!tpu.dma_semaphore, #tpu.memory_space<semaphore_mem>>)
    %dma_wait3A_66 = arith.constant 2560 : i32
    %dma_wait3A_67 = tpu.memref_slice %arg5[%dma_wait3A_66] : memref<25600xi32, #tpu.memory_space<vmem>> -> memref<1280xi32, #tpu.memory_space<vmem>>
    %dma_wait3A_68 = arith.constant 0 : i32
    %dma_wait3A_69 = arith.constant 0 : i32
    %dma_wait3A_70 = tpu.memref_slice %arg2[%dma_wait3A_68, %dma_wait3A_69] : memref<1000000x16xf32, #tpu.memory_space<hbm>> -> memref<1000000x16xf32, #tpu.memory_space<hbm>>
    tpu.wait_indirect_dma semaphore(%arg13 : memref<!tpu.dma_semaphore, #tpu.memory_space<semaphore_mem>>) src(%dma_wait3A_70 : memref<1000000x16xf32, #tpu.memory_space<hbm>>) dst(%arg8 : memref<1280x16xf32, #tpu.memory_space<vmem>>)
    %add3A_71 = arith.constant 2560 : i32
    %add3A_72 = arith.addi %mul3A_2, %add3A_71 : i32
    %dma_start3A_73 = arith.constant 0 : i32
    %dma_start3A_74 = tpu.memref_slice %arg4[%add3A_72, %dma_start3A_73] : memref<819200x16xf32, #tpu.memory_space<hbm>> -> memref<1280x16xf32, #tpu.memory_space<hbm>>
    %dma_start3A_75 = arith.constant 0 : i32
    %dma_start3A_76 = tpu.memref_slice %arg4[%add3A_72, %dma_start3A_75] : memref<819200x16xf32, #tpu.memory_space<hbm>> -> memref<1280x16xf32, #tpu.memory_space<hbm>>
    tpu.enqueue_dma source(%arg8 : memref<1280x16xf32, #tpu.memory_space<vmem>>) target(%dma_start3A_76 : memref<1280x16xf32, #tpu.memory_space<hbm>>) target_semaphore(%arg18 : memref<!tpu.dma_semaphore, #tpu.memory_space<semaphore_mem>>)
    %dma_wait3A_77 = arith.constant 0 : i32
    %dma_wait3A_78 = tpu.memref_slice %arg4[%add3A_72, %dma_wait3A_77] : memref<819200x16xf32, #tpu.memory_space<hbm>> -> memref<1280x16xf32, #tpu.memory_space<hbm>>
    %dma_wait3A_79 = arith.constant 0 : i32
    %dma_wait3A_80 = tpu.memref_slice %arg4[%add3A_72, %dma_wait3A_79] : memref<819200x16xf32, #tpu.memory_space<hbm>> -> memref<1280x16xf32, #tpu.memory_space<hbm>>
    tpu.wait_dma2 semaphore(%arg18 : memref<!tpu.dma_semaphore, #tpu.memory_space<semaphore_mem>>) src(%arg8 : memref<1280x16xf32, #tpu.memory_space<vmem>>) dst(%dma_wait3A_80 : memref<1280x16xf32, #tpu.memory_space<hbm>>)
    %dma_start3A_81 = arith.constant 8960 : i32
    %dma_start3A_82 = tpu.memref_slice %arg5[%dma_start3A_81] : memref<25600xi32, #tpu.memory_space<vmem>> -> memref<1280xi32, #tpu.memory_space<vmem>>
    %dma_start3A_83 = arith.constant 0 : i32
    %dma_start3A_84 = arith.constant 0 : i32
    %dma_start3A_85 = tpu.memref_slice %arg2[%dma_start3A_83, %dma_start3A_84] : memref<1000000x16xf32, #tpu.memory_space<hbm>> -> memref<1000000x16xf32, #tpu.memory_space<hbm>>
    tpu.enqueue_indirect_dma source(%dma_start3A_85 : memref<1000000x16xf32, #tpu.memory_space<hbm>>) target(%arg8 : memref<1280x16xf32, #tpu.memory_space<vmem>>) offsets(%dma_start3A_82 : memref<1280xi32, #tpu.memory_space<vmem>>) semaphore(%arg13 : memref<!tpu.dma_semaphore, #tpu.memory_space<semaphore_mem>>)
    %dma_wait3A_86 = arith.constant 3840 : i32
    %dma_wait3A_87 = tpu.memref_slice %arg5[%dma_wait3A_86] : memref<25600xi32, #tpu.memory_space<vmem>> -> memref<1280xi32, #tpu.memory_space<vmem>>
    %dma_wait3A_88 = arith.constant 0 : i32
    %dma_wait3A_89 = arith.constant 0 : i32
    %dma_wait3A_90 = tpu.memref_slice %arg2[%dma_wait3A_88, %dma_wait3A_89] : memref<1000000x16xf32, #tpu.memory_space<hbm>> -> memref<1000000x16xf32, #tpu.memory_space<hbm>>
    tpu.wait_indirect_dma semaphore(%arg14 : memref<!tpu.dma_semaphore, #tpu.memory_space<semaphore_mem>>) src(%dma_wait3A_90 : memref<1000000x16xf32, #tpu.memory_space<hbm>>) dst(%arg9 : memref<1280x16xf32, #tpu.memory_space<vmem>>)
    %add3A_91 = arith.constant 3840 : i32
    %add3A_92 = arith.addi %mul3A_2, %add3A_91 : i32
    %dma_start3A_93 = arith.constant 0 : i32
    %dma_start3A_94 = tpu.memref_slice %arg4[%add3A_92, %dma_start3A_93] : memref<819200x16xf32, #tpu.memory_space<hbm>> -> memref<1280x16xf32, #tpu.memory_space<hbm>>
    %dma_start3A_95 = arith.constant 0 : i32
    %dma_start3A_96 = tpu.memref_slice %arg4[%add3A_92, %dma_start3A_95] : memref<819200x16xf32, #tpu.memory_space<hbm>> -> memref<1280x16xf32, #tpu.memory_space<hbm>>
    tpu.enqueue_dma source(%arg9 : memref<1280x16xf32, #tpu.memory_space<vmem>>) target(%dma_start3A_96 : memref<1280x16xf32, #tpu.memory_space<hbm>>) target_semaphore(%arg19 : memref<!tpu.dma_semaphore, #tpu.memory_space<semaphore_mem>>)
    %dma_wait3A_97 = arith.constant 0 : i32
    %dma_wait3A_98 = tpu.memref_slice %arg4[%add3A_92, %dma_wait3A_97] : memref<819200x16xf32, #tpu.memory_space<hbm>> -> memref<1280x16xf32, #tpu.memory_space<hbm>>
    %dma_wait3A_99 = arith.constant 0 : i32
    %dma_wait3A_100 = tpu.memref_slice %arg4[%add3A_92, %dma_wait3A_99] : memref<819200x16xf32, #tpu.memory_space<hbm>> -> memref<1280x16xf32, #tpu.memory_space<hbm>>
    tpu.wait_dma2 semaphore(%arg19 : memref<!tpu.dma_semaphore, #tpu.memory_space<semaphore_mem>>) src(%arg9 : memref<1280x16xf32, #tpu.memory_space<vmem>>) dst(%dma_wait3A_100 : memref<1280x16xf32, #tpu.memory_space<hbm>>)
    %dma_start3A_101 = arith.constant 10240 : i32
    %dma_start3A_102 = tpu.memref_slice %arg5[%dma_start3A_101] : memref<25600xi32, #tpu.memory_space<vmem>> -> memref<1280xi32, #tpu.memory_space<vmem>>
    %dma_start3A_103 = arith.constant 0 : i32
    %dma_start3A_104 = arith.constant 0 : i32
    %dma_start3A_105 = tpu.memref_slice %arg2[%dma_start3A_103, %dma_start3A_104] : memref<1000000x16xf32, #tpu.memory_space<hbm>> -> memref<1000000x16xf32, #tpu.memory_space<hbm>>
    tpu.enqueue_indirect_dma source(%dma_start3A_105 : memref<1000000x16xf32, #tpu.memory_space<hbm>>) target(%arg9 : memref<1280x16xf32, #tpu.memory_space<vmem>>) offsets(%dma_start3A_102 : memref<1280xi32, #tpu.memory_space<vmem>>) semaphore(%arg14 : memref<!tpu.dma_semaphore, #tpu.memory_space<semaphore_mem>>)
    %dma_wait3A_106 = arith.constant 5120 : i32
    %dma_wait3A_107 = tpu.memref_slice %arg5[%dma_wait3A_106] : memref<25600xi32, #tpu.memory_space<vmem>> -> memref<1280xi32, #tpu.memory_space<vmem>>
    %dma_wait3A_108 = arith.constant 0 : i32
    %dma_wait3A_109 = arith.constant 0 : i32
    %dma_wait3A_110 = tpu.memref_slice %arg2[%dma_wait3A_108, %dma_wait3A_109] : memref<1000000x16xf32, #tpu.memory_space<hbm>> -> memref<1000000x16xf32, #tpu.memory_space<hbm>>
    tpu.wait_indirect_dma semaphore(%arg15 : memref<!tpu.dma_semaphore, #tpu.memory_space<semaphore_mem>>) src(%dma_wait3A_110 : memref<1000000x16xf32, #tpu.memory_space<hbm>>) dst(%arg10 : memref<1280x16xf32, #tpu.memory_space<vmem>>)
    %add3A_111 = arith.constant 5120 : i32
    %add3A_112 = arith.addi %mul3A_2, %add3A_111 : i32
    %dma_start3A_113 = arith.constant 0 : i32
    %dma_start3A_114 = tpu.memref_slice %arg4[%add3A_112, %dma_start3A_113] : memref<819200x16xf32, #tpu.memory_space<hbm>> -> memref<1280x16xf32, #tpu.memory_space<hbm>>
    %dma_start3A_115 = arith.constant 0 : i32
    %dma_start3A_116 = tpu.memref_slice %arg4[%add3A_112, %dma_start3A_115] : memref<819200x16xf32, #tpu.memory_space<hbm>> -> memref<1280x16xf32, #tpu.memory_space<hbm>>
    tpu.enqueue_dma source(%arg10 : memref<1280x16xf32, #tpu.memory_space<vmem>>) target(%dma_start3A_116 : memref<1280x16xf32, #tpu.memory_space<hbm>>) target_semaphore(%arg20 : memref<!tpu.dma_semaphore, #tpu.memory_space<semaphore_mem>>)
    %dma_wait3A_117 = arith.constant 0 : i32
    %dma_wait3A_118 = tpu.memref_slice %arg4[%add3A_112, %dma_wait3A_117] : memref<819200x16xf32, #tpu.memory_space<hbm>> -> memref<1280x16xf32, #tpu.memory_space<hbm>>
    %dma_wait3A_119 = arith.constant 0 : i32
    %dma_wait3A_120 = tpu.memref_slice %arg4[%add3A_112, %dma_wait3A_119] : memref<819200x16xf32, #tpu.memory_space<hbm>> -> memref<1280x16xf32, #tpu.memory_space<hbm>>
    tpu.wait_dma2 semaphore(%arg20 : memref<!tpu.dma_semaphore, #tpu.memory_space<semaphore_mem>>) src(%arg10 : memref<1280x16xf32, #tpu.memory_space<vmem>>) dst(%dma_wait3A_120 : memref<1280x16xf32, #tpu.memory_space<hbm>>)
    %dma_start3A_121 = arith.constant 11520 : i32
    %dma_start3A_122 = tpu.memref_slice %arg5[%dma_start3A_121] : memref<25600xi32, #tpu.memory_space<vmem>> -> memref<1280xi32, #tpu.memory_space<vmem>>
    %dma_start3A_123 = arith.constant 0 : i32
    %dma_start3A_124 = arith.constant 0 : i32
    %dma_start3A_125 = tpu.memref_slice %arg2[%dma_start3A_123, %dma_start3A_124] : memref<1000000x16xf32, #tpu.memory_space<hbm>> -> memref<1000000x16xf32, #tpu.memory_space<hbm>>
    tpu.enqueue_indirect_dma source(%dma_start3A_125 : memref<1000000x16xf32, #tpu.memory_space<hbm>>) target(%arg10 : memref<1280x16xf32, #tpu.memory_space<vmem>>) offsets(%dma_start3A_122 : memref<1280xi32, #tpu.memory_space<vmem>>) semaphore(%arg15 : memref<!tpu.dma_semaphore, #tpu.memory_space<semaphore_mem>>)
    %dma_wait3A_126 = arith.constant 6400 : i32
    %dma_wait3A_127 = tpu.memref_slice %arg5[%dma_wait3A_126] : memref<25600xi32, #tpu.memory_space<vmem>> -> memref<1280xi32, #tpu.memory_space<vmem>>
    %dma_wait3A_128 = arith.constant 0 : i32
    %dma_wait3A_129 = arith.constant 0 : i32
    %dma_wait3A_130 = tpu.memref_slice %arg2[%dma_wait3A_128, %dma_wait3A_129] : memref<1000000x16xf32, #tpu.memory_space<hbm>> -> memref<1000000x16xf32, #tpu.memory_space<hbm>>
    tpu.wait_indirect_dma semaphore(%arg11 : memref<!tpu.dma_semaphore, #tpu.memory_space<semaphore_mem>>) src(%dma_wait3A_130 : memref<1000000x16xf32, #tpu.memory_space<hbm>>) dst(%arg6 : memref<1280x16xf32, #tpu.memory_space<vmem>>)
    %add3A_131 = arith.constant 6400 : i32
    %add3A_132 = arith.addi %mul3A_2, %add3A_131 : i32
    %dma_start3A_133 = arith.constant 0 : i32
    %dma_start3A_134 = tpu.memref_slice %arg4[%add3A_132, %dma_start3A_133] : memref<819200x16xf32, #tpu.memory_space<hbm>> -> memref<1280x16xf32, #tpu.memory_space<hbm>>
    %dma_start3A_135 = arith.constant 0 : i32
    %dma_start3A_136 = tpu.memref_slice %arg4[%add3A_132, %dma_start3A_135] : memref<819200x16xf32, #tpu.memory_space<hbm>> -> memref<1280x16xf32, #tpu.memory_space<hbm>>
    tpu.enqueue_dma source(%arg6 : memref<1280x16xf32, #tpu.memory_space<vmem>>) target(%dma_start3A_136 : memref<1280x16xf32, #tpu.memory_space<hbm>>) target_semaphore(%arg16 : memref<!tpu.dma_semaphore, #tpu.memory_space<semaphore_mem>>)
    %dma_wait3A_137 = arith.constant 0 : i32
    %dma_wait3A_138 = tpu.memref_slice %arg4[%add3A_132, %dma_wait3A_137] : memref<819200x16xf32, #tpu.memory_space<hbm>> -> memref<1280x16xf32, #tpu.memory_space<hbm>>
    %dma_wait3A_139 = arith.constant 0 : i32
    %dma_wait3A_140 = tpu.memref_slice %arg4[%add3A_132, %dma_wait3A_139] : memref<819200x16xf32, #tpu.memory_space<hbm>> -> memref<1280x16xf32, #tpu.memory_space<hbm>>
    tpu.wait_dma2 semaphore(%arg16 : memref<!tpu.dma_semaphore, #tpu.memory_space<semaphore_mem>>) src(%arg6 : memref<1280x16xf32, #tpu.memory_space<vmem>>) dst(%dma_wait3A_140 : memref<1280x16xf32, #tpu.memory_space<hbm>>)
    %dma_start3A_141 = arith.constant 12800 : i32
    %dma_start3A_142 = tpu.memref_slice %arg5[%dma_start3A_141] : memref<25600xi32, #tpu.memory_space<vmem>> -> memref<1280xi32, #tpu.memory_space<vmem>>
    %dma_start3A_143 = arith.constant 0 : i32
    %dma_start3A_144 = arith.constant 0 : i32
    %dma_start3A_145 = tpu.memref_slice %arg2[%dma_start3A_143, %dma_start3A_144] : memref<1000000x16xf32, #tpu.memory_space<hbm>> -> memref<1000000x16xf32, #tpu.memory_space<hbm>>
    tpu.enqueue_indirect_dma source(%dma_start3A_145 : memref<1000000x16xf32, #tpu.memory_space<hbm>>) target(%arg6 : memref<1280x16xf32, #tpu.memory_space<vmem>>) offsets(%dma_start3A_142 : memref<1280xi32, #tpu.memory_space<vmem>>) semaphore(%arg11 : memref<!tpu.dma_semaphore, #tpu.memory_space<semaphore_mem>>)
    %dma_wait3A_146 = arith.constant 7680 : i32
    %dma_wait3A_147 = tpu.memref_slice %arg5[%dma_wait3A_146] : memref<25600xi32, #tpu.memory_space<vmem>> -> memref<1280xi32, #tpu.memory_space<vmem>>
    %dma_wait3A_148 = arith.constant 0 : i32
    %dma_wait3A_149 = arith.constant 0 : i32
    %dma_wait3A_150 = tpu.memref_slice %arg2[%dma_wait3A_148, %dma_wait3A_149] : memref<1000000x16xf32, #tpu.memory_space<hbm>> -> memref<1000000x16xf32, #tpu.memory_space<hbm>>
    tpu.wait_indirect_dma semaphore(%arg12 : memref<!tpu.dma_semaphore, #tpu.memory_space<semaphore_mem>>) src(%dma_wait3A_150 : memref<1000000x16xf32, #tpu.memory_space<hbm>>) dst(%arg7 : memref<1280x16xf32, #tpu.memory_space<vmem>>)
    %add3A_151 = arith.constant 7680 : i32
    %add3A_152 = arith.addi %mul3A_2, %add3A_151 : i32
    %dma_start3A_153 = arith.constant 0 : i32
    %dma_start3A_154 = tpu.memref_slice %arg4[%add3A_152, %dma_start3A_153] : memref<819200x16xf32, #tpu.memory_space<hbm>> -> memref<1280x16xf32, #tpu.memory_space<hbm>>
    %dma_start3A_155 = arith.constant 0 : i32
    %dma_start3A_156 = tpu.memref_slice %arg4[%add3A_152, %dma_start3A_155] : memref<819200x16xf32, #tpu.memory_space<hbm>> -> memref<1280x16xf32, #tpu.memory_space<hbm>>
    tpu.enqueue_dma source(%arg7 : memref<1280x16xf32, #tpu.memory_space<vmem>>) target(%dma_start3A_156 : memref<1280x16xf32, #tpu.memory_space<hbm>>) target_semaphore(%arg17 : memref<!tpu.dma_semaphore, #tpu.memory_space<semaphore_mem>>)
    %dma_wait3A_157 = arith.constant 0 : i32
    %dma_wait3A_158 = tpu.memref_slice %arg4[%add3A_152, %dma_wait3A_157] : memref<819200x16xf32, #tpu.memory_space<hbm>> -> memref<1280x16xf32, #tpu.memory_space<hbm>>
    %dma_wait3A_159 = arith.constant 0 : i32
    %dma_wait3A_160 = tpu.memref_slice %arg4[%add3A_152, %dma_wait3A_159] : memref<819200x16xf32, #tpu.memory_space<hbm>> -> memref<1280x16xf32, #tpu.memory_space<hbm>>
    tpu.wait_dma2 semaphore(%arg17 : memref<!tpu.dma_semaphore, #tpu.memory_space<semaphore_mem>>) src(%arg7 : memref<1280x16xf32, #tpu.memory_space<vmem>>) dst(%dma_wait3A_160 : memref<1280x16xf32, #tpu.memory_space<hbm>>)
    %dma_start3A_161 = arith.constant 14080 : i32
    %dma_start3A_162 = tpu.memref_slice %arg5[%dma_start3A_161] : memref<25600xi32, #tpu.memory_space<vmem>> -> memref<1280xi32, #tpu.memory_space<vmem>>
    %dma_start3A_163 = arith.constant 0 : i32
    %dma_start3A_164 = arith.constant 0 : i32
    %dma_start3A_165 = tpu.memref_slice %arg2[%dma_start3A_163, %dma_start3A_164] : memref<1000000x16xf32, #tpu.memory_space<hbm>> -> memref<1000000x16xf32, #tpu.memory_space<hbm>>
    tpu.enqueue_indirect_dma source(%dma_start3A_165 : memref<1000000x16xf32, #tpu.memory_space<hbm>>) target(%arg7 : memref<1280x16xf32, #tpu.memory_space<vmem>>) offsets(%dma_start3A_162 : memref<1280xi32, #tpu.memory_space<vmem>>) semaphore(%arg12 : memref<!tpu.dma_semaphore, #tpu.memory_space<semaphore_mem>>)
    %dma_wait3A_166 = arith.constant 8960 : i32
    %dma_wait3A_167 = tpu.memref_slice %arg5[%dma_wait3A_166] : memref<25600xi32, #tpu.memory_space<vmem>> -> memref<1280xi32, #tpu.memory_space<vmem>>
    %dma_wait3A_168 = arith.constant 0 : i32
    %dma_wait3A_169 = arith.constant 0 : i32
    %dma_wait3A_170 = tpu.memref_slice %arg2[%dma_wait3A_168, %dma_wait3A_169] : memref<1000000x16xf32, #tpu.memory_space<hbm>> -> memref<1000000x16xf32, #tpu.memory_space<hbm>>
    tpu.wait_indirect_dma semaphore(%arg13 : memref<!tpu.dma_semaphore, #tpu.memory_space<semaphore_mem>>) src(%dma_wait3A_170 : memref<1000000x16xf32, #tpu.memory_space<hbm>>) dst(%arg8 : memref<1280x16xf32, #tpu.memory_space<vmem>>)
    %add3A_171 = arith.constant 8960 : i32
    %add3A_172 = arith.addi %mul3A_2, %add3A_171 : i32
    %dma_start3A_173 = arith.constant 0 : i32
    %dma_start3A_174 = tpu.memref_slice %arg4[%add3A_172, %dma_start3A_173] : memref<819200x16xf32, #tpu.memory_space<hbm>> -> memref<1280x16xf32, #tpu.memory_space<hbm>>
    %dma_start3A_175 = arith.constant 0 : i32
    %dma_start3A_176 = tpu.memref_slice %arg4[%add3A_172, %dma_start3A_175] : memref<819200x16xf32, #tpu.memory_space<hbm>> -> memref<1280x16xf32, #tpu.memory_space<hbm>>
    tpu.enqueue_dma source(%arg8 : memref<1280x16xf32, #tpu.memory_space<vmem>>) target(%dma_start3A_176 : memref<1280x16xf32, #tpu.memory_space<hbm>>) target_semaphore(%arg18 : memref<!tpu.dma_semaphore, #tpu.memory_space<semaphore_mem>>)
    %dma_wait3A_177 = arith.constant 0 : i32
    %dma_wait3A_178 = tpu.memref_slice %arg4[%add3A_172, %dma_wait3A_177] : memref<819200x16xf32, #tpu.memory_space<hbm>> -> memref<1280x16xf32, #tpu.memory_space<hbm>>
    %dma_wait3A_179 = arith.constant 0 : i32
    %dma_wait3A_180 = tpu.memref_slice %arg4[%add3A_172, %dma_wait3A_179] : memref<819200x16xf32, #tpu.memory_space<hbm>> -> memref<1280x16xf32, #tpu.memory_space<hbm>>
    tpu.wait_dma2 semaphore(%arg18 : memref<!tpu.dma_semaphore, #tpu.memory_space<semaphore_mem>>) src(%arg8 : memref<1280x16xf32, #tpu.memory_space<vmem>>) dst(%dma_wait3A_180 : memref<1280x16xf32, #tpu.memory_space<hbm>>)
    %dma_start3A_181 = arith.constant 15360 : i32
    %dma_start3A_182 = tpu.memref_slice %arg5[%dma_start3A_181] : memref<25600xi32, #tpu.memory_space<vmem>> -> memref<1280xi32, #tpu.memory_space<vmem>>
    %dma_start3A_183 = arith.constant 0 : i32
    %dma_start3A_184 = arith.constant 0 : i32
    %dma_start3A_185 = tpu.memref_slice %arg2[%dma_start3A_183, %dma_start3A_184] : memref<1000000x16xf32, #tpu.memory_space<hbm>> -> memref<1000000x16xf32, #tpu.memory_space<hbm>>
    tpu.enqueue_indirect_dma source(%dma_start3A_185 : memref<1000000x16xf32, #tpu.memory_space<hbm>>) target(%arg8 : memref<1280x16xf32, #tpu.memory_space<vmem>>) offsets(%dma_start3A_182 : memref<1280xi32, #tpu.memory_space<vmem>>) semaphore(%arg13 : memref<!tpu.dma_semaphore, #tpu.memory_space<semaphore_mem>>)
    %dma_wait3A_186 = arith.constant 10240 : i32
    %dma_wait3A_187 = tpu.memref_slice %arg5[%dma_wait3A_186] : memref<25600xi32, #tpu.memory_space<vmem>> -> memref<1280xi32, #tpu.memory_space<vmem>>
    %dma_wait3A_188 = arith.constant 0 : i32
    %dma_wait3A_189 = arith.constant 0 : i32
    %dma_wait3A_190 = tpu.memref_slice %arg2[%dma_wait3A_188, %dma_wait3A_189] : memref<1000000x16xf32, #tpu.memory_space<hbm>> -> memref<1000000x16xf32, #tpu.memory_space<hbm>>
    tpu.wait_indirect_dma semaphore(%arg14 : memref<!tpu.dma_semaphore, #tpu.memory_space<semaphore_mem>>) src(%dma_wait3A_190 : memref<1000000x16xf32, #tpu.memory_space<hbm>>) dst(%arg9 : memref<1280x16xf32, #tpu.memory_space<vmem>>)
    %add3A_191 = arith.constant 10240 : i32
    %add3A_192 = arith.addi %mul3A_2, %add3A_191 : i32
    %dma_start3A_193 = arith.constant 0 : i32
    %dma_start3A_194 = tpu.memref_slice %arg4[%add3A_192, %dma_start3A_193] : memref<819200x16xf32, #tpu.memory_space<hbm>> -> memref<1280x16xf32, #tpu.memory_space<hbm>>
    %dma_start3A_195 = arith.constant 0 : i32
    %dma_start3A_196 = tpu.memref_slice %arg4[%add3A_192, %dma_start3A_195] : memref<819200x16xf32, #tpu.memory_space<hbm>> -> memref<1280x16xf32, #tpu.memory_space<hbm>>
    tpu.enqueue_dma source(%arg9 : memref<1280x16xf32, #tpu.memory_space<vmem>>) target(%dma_start3A_196 : memref<1280x16xf32, #tpu.memory_space<hbm>>) target_semaphore(%arg19 : memref<!tpu.dma_semaphore, #tpu.memory_space<semaphore_mem>>)
    %dma_wait3A_197 = arith.constant 0 : i32
    %dma_wait3A_198 = tpu.memref_slice %arg4[%add3A_192, %dma_wait3A_197] : memref<819200x16xf32, #tpu.memory_space<hbm>> -> memref<1280x16xf32, #tpu.memory_space<hbm>>
    %dma_wait3A_199 = arith.constant 0 : i32
    %dma_wait3A_200 = tpu.memref_slice %arg4[%add3A_192, %dma_wait3A_199] : memref<819200x16xf32, #tpu.memory_space<hbm>> -> memref<1280x16xf32, #tpu.memory_space<hbm>>
    tpu.wait_dma2 semaphore(%arg19 : memref<!tpu.dma_semaphore, #tpu.memory_space<semaphore_mem>>) src(%arg9 : memref<1280x16xf32, #tpu.memory_space<vmem>>) dst(%dma_wait3A_200 : memref<1280x16xf32, #tpu.memory_space<hbm>>)
    %dma_start3A_201 = arith.constant 16640 : i32
    %dma_start3A_202 = tpu.memref_slice %arg5[%dma_start3A_201] : memref<25600xi32, #tpu.memory_space<vmem>> -> memref<1280xi32, #tpu.memory_space<vmem>>
    %dma_start3A_203 = arith.constant 0 : i32
    %dma_start3A_204 = arith.constant 0 : i32
    %dma_start3A_205 = tpu.memref_slice %arg2[%dma_start3A_203, %dma_start3A_204] : memref<1000000x16xf32, #tpu.memory_space<hbm>> -> memref<1000000x16xf32, #tpu.memory_space<hbm>>
    tpu.enqueue_indirect_dma source(%dma_start3A_205 : memref<1000000x16xf32, #tpu.memory_space<hbm>>) target(%arg9 : memref<1280x16xf32, #tpu.memory_space<vmem>>) offsets(%dma_start3A_202 : memref<1280xi32, #tpu.memory_space<vmem>>) semaphore(%arg14 : memref<!tpu.dma_semaphore, #tpu.memory_space<semaphore_mem>>)
    %dma_wait3A_206 = arith.constant 11520 : i32
    %dma_wait3A_207 = tpu.memref_slice %arg5[%dma_wait3A_206] : memref<25600xi32, #tpu.memory_space<vmem>> -> memref<1280xi32, #tpu.memory_space<vmem>>
    %dma_wait3A_208 = arith.constant 0 : i32
    %dma_wait3A_209 = arith.constant 0 : i32
    %dma_wait3A_210 = tpu.memref_slice %arg2[%dma_wait3A_208, %dma_wait3A_209] : memref<1000000x16xf32, #tpu.memory_space<hbm>> -> memref<1000000x16xf32, #tpu.memory_space<hbm>>
    tpu.wait_indirect_dma semaphore(%arg15 : memref<!tpu.dma_semaphore, #tpu.memory_space<semaphore_mem>>) src(%dma_wait3A_210 : memref<1000000x16xf32, #tpu.memory_space<hbm>>) dst(%arg10 : memref<1280x16xf32, #tpu.memory_space<vmem>>)
    %add3A_211 = arith.constant 11520 : i32
    %add3A_212 = arith.addi %mul3A_2, %add3A_211 : i32
    %dma_start3A_213 = arith.constant 0 : i32
    %dma_start3A_214 = tpu.memref_slice %arg4[%add3A_212, %dma_start3A_213] : memref<819200x16xf32, #tpu.memory_space<hbm>> -> memref<1280x16xf32, #tpu.memory_space<hbm>>
    %dma_start3A_215 = arith.constant 0 : i32
    %dma_start3A_216 = tpu.memref_slice %arg4[%add3A_212, %dma_start3A_215] : memref<819200x16xf32, #tpu.memory_space<hbm>> -> memref<1280x16xf32, #tpu.memory_space<hbm>>
    tpu.enqueue_dma source(%arg10 : memref<1280x16xf32, #tpu.memory_space<vmem>>) target(%dma_start3A_216 : memref<1280x16xf32, #tpu.memory_space<hbm>>) target_semaphore(%arg20 : memref<!tpu.dma_semaphore, #tpu.memory_space<semaphore_mem>>)
    %dma_wait3A_217 = arith.constant 0 : i32
    %dma_wait3A_218 = tpu.memref_slice %arg4[%add3A_212, %dma_wait3A_217] : memref<819200x16xf32, #tpu.memory_space<hbm>> -> memref<1280x16xf32, #tpu.memory_space<hbm>>
    %dma_wait3A_219 = arith.constant 0 : i32
    %dma_wait3A_220 = tpu.memref_slice %arg4[%add3A_212, %dma_wait3A_219] : memref<819200x16xf32, #tpu.memory_space<hbm>> -> memref<1280x16xf32, #tpu.memory_space<hbm>>
    tpu.wait_dma2 semaphore(%arg20 : memref<!tpu.dma_semaphore, #tpu.memory_space<semaphore_mem>>) src(%arg10 : memref<1280x16xf32, #tpu.memory_space<vmem>>) dst(%dma_wait3A_220 : memref<1280x16xf32, #tpu.memory_space<hbm>>)
    %dma_start3A_221 = arith.constant 17920 : i32
    %dma_start3A_222 = tpu.memref_slice %arg5[%dma_start3A_221] : memref<25600xi32, #tpu.memory_space<vmem>> -> memref<1280xi32, #tpu.memory_space<vmem>>
    %dma_start3A_223 = arith.constant 0 : i32
    %dma_start3A_224 = arith.constant 0 : i32
    %dma_start3A_225 = tpu.memref_slice %arg2[%dma_start3A_223, %dma_start3A_224] : memref<1000000x16xf32, #tpu.memory_space<hbm>> -> memref<1000000x16xf32, #tpu.memory_space<hbm>>
    tpu.enqueue_indirect_dma source(%dma_start3A_225 : memref<1000000x16xf32, #tpu.memory_space<hbm>>) target(%arg10 : memref<1280x16xf32, #tpu.memory_space<vmem>>) offsets(%dma_start3A_222 : memref<1280xi32, #tpu.memory_space<vmem>>) semaphore(%arg15 : memref<!tpu.dma_semaphore, #tpu.memory_space<semaphore_mem>>)
    %dma_wait3A_226 = arith.constant 12800 : i32
    %dma_wait3A_227 = tpu.memref_slice %arg5[%dma_wait3A_226] : memref<25600xi32, #tpu.memory_space<vmem>> -> memref<1280xi32, #tpu.memory_space<vmem>>
    %dma_wait3A_228 = arith.constant 0 : i32
    %dma_wait3A_229 = arith.constant 0 : i32
    %dma_wait3A_230 = tpu.memref_slice %arg2[%dma_wait3A_228, %dma_wait3A_229] : memref<1000000x16xf32, #tpu.memory_space<hbm>> -> memref<1000000x16xf32, #tpu.memory_space<hbm>>
    tpu.wait_indirect_dma semaphore(%arg11 : memref<!tpu.dma_semaphore, #tpu.memory_space<semaphore_mem>>) src(%dma_wait3A_230 : memref<1000000x16xf32, #tpu.memory_space<hbm>>) dst(%arg6 : memref<1280x16xf32, #tpu.memory_space<vmem>>)
    %add3A_231 = arith.constant 12800 : i32
    %add3A_232 = arith.addi %mul3A_2, %add3A_231 : i32
    %dma_start3A_233 = arith.constant 0 : i32
    %dma_start3A_234 = tpu.memref_slice %arg4[%add3A_232, %dma_start3A_233] : memref<819200x16xf32, #tpu.memory_space<hbm>> -> memref<1280x16xf32, #tpu.memory_space<hbm>>
    %dma_start3A_235 = arith.constant 0 : i32
    %dma_start3A_236 = tpu.memref_slice %arg4[%add3A_232, %dma_start3A_235] : memref<819200x16xf32, #tpu.memory_space<hbm>> -> memref<1280x16xf32, #tpu.memory_space<hbm>>
    tpu.enqueue_dma source(%arg6 : memref<1280x16xf32, #tpu.memory_space<vmem>>) target(%dma_start3A_236 : memref<1280x16xf32, #tpu.memory_space<hbm>>) target_semaphore(%arg16 : memref<!tpu.dma_semaphore, #tpu.memory_space<semaphore_mem>>)
    %dma_wait3A_237 = arith.constant 0 : i32
    %dma_wait3A_238 = tpu.memref_slice %arg4[%add3A_232, %dma_wait3A_237] : memref<819200x16xf32, #tpu.memory_space<hbm>> -> memref<1280x16xf32, #tpu.memory_space<hbm>>
    %dma_wait3A_239 = arith.constant 0 : i32
    %dma_wait3A_240 = tpu.memref_slice %arg4[%add3A_232, %dma_wait3A_239] : memref<819200x16xf32, #tpu.memory_space<hbm>> -> memref<1280x16xf32, #tpu.memory_space<hbm>>
    tpu.wait_dma2 semaphore(%arg16 : memref<!tpu.dma_semaphore, #tpu.memory_space<semaphore_mem>>) src(%arg6 : memref<1280x16xf32, #tpu.memory_space<vmem>>) dst(%dma_wait3A_240 : memref<1280x16xf32, #tpu.memory_space<hbm>>)
    %dma_start3A_241 = arith.constant 19200 : i32
    %dma_start3A_242 = tpu.memref_slice %arg5[%dma_start3A_241] : memref<25600xi32, #tpu.memory_space<vmem>> -> memref<1280xi32, #tpu.memory_space<vmem>>
    %dma_start3A_243 = arith.constant 0 : i32
    %dma_start3A_244 = arith.constant 0 : i32
    %dma_start3A_245 = tpu.memref_slice %arg2[%dma_start3A_243, %dma_start3A_244] : memref<1000000x16xf32, #tpu.memory_space<hbm>> -> memref<1000000x16xf32, #tpu.memory_space<hbm>>
    tpu.enqueue_indirect_dma source(%dma_start3A_245 : memref<1000000x16xf32, #tpu.memory_space<hbm>>) target(%arg6 : memref<1280x16xf32, #tpu.memory_space<vmem>>) offsets(%dma_start3A_242 : memref<1280xi32, #tpu.memory_space<vmem>>) semaphore(%arg11 : memref<!tpu.dma_semaphore, #tpu.memory_space<semaphore_mem>>)
    %dma_wait3A_246 = arith.constant 14080 : i32
    %dma_wait3A_247 = tpu.memref_slice %arg5[%dma_wait3A_246] : memref<25600xi32, #tpu.memory_space<vmem>> -> memref<1280xi32, #tpu.memory_space<vmem>>
    %dma_wait3A_248 = arith.constant 0 : i32
    %dma_wait3A_249 = arith.constant 0 : i32
    %dma_wait3A_250 = tpu.memref_slice %arg2[%dma_wait3A_248, %dma_wait3A_249] : memref<1000000x16xf32, #tpu.memory_space<hbm>> -> memref<1000000x16xf32, #tpu.memory_space<hbm>>
    tpu.wait_indirect_dma semaphore(%arg12 : memref<!tpu.dma_semaphore, #tpu.memory_space<semaphore_mem>>) src(%dma_wait3A_250 : memref<1000000x16xf32, #tpu.memory_space<hbm>>) dst(%arg7 : memref<1280x16xf32, #tpu.memory_space<vmem>>)
    %add3A_251 = arith.constant 14080 : i32
    %add3A_252 = arith.addi %mul3A_2, %add3A_251 : i32
    %dma_start3A_253 = arith.constant 0 : i32
    %dma_start3A_254 = tpu.memref_slice %arg4[%add3A_252, %dma_start3A_253] : memref<819200x16xf32, #tpu.memory_space<hbm>> -> memref<1280x16xf32, #tpu.memory_space<hbm>>
    %dma_start3A_255 = arith.constant 0 : i32
    %dma_start3A_256 = tpu.memref_slice %arg4[%add3A_252, %dma_start3A_255] : memref<819200x16xf32, #tpu.memory_space<hbm>> -> memref<1280x16xf32, #tpu.memory_space<hbm>>
    tpu.enqueue_dma source(%arg7 : memref<1280x16xf32, #tpu.memory_space<vmem>>) target(%dma_start3A_256 : memref<1280x16xf32, #tpu.memory_space<hbm>>) target_semaphore(%arg17 : memref<!tpu.dma_semaphore, #tpu.memory_space<semaphore_mem>>)
    %dma_wait3A_257 = arith.constant 0 : i32
    %dma_wait3A_258 = tpu.memref_slice %arg4[%add3A_252, %dma_wait3A_257] : memref<819200x16xf32, #tpu.memory_space<hbm>> -> memref<1280x16xf32, #tpu.memory_space<hbm>>
    %dma_wait3A_259 = arith.constant 0 : i32
    %dma_wait3A_260 = tpu.memref_slice %arg4[%add3A_252, %dma_wait3A_259] : memref<819200x16xf32, #tpu.memory_space<hbm>> -> memref<1280x16xf32, #tpu.memory_space<hbm>>
    tpu.wait_dma2 semaphore(%arg17 : memref<!tpu.dma_semaphore, #tpu.memory_space<semaphore_mem>>) src(%arg7 : memref<1280x16xf32, #tpu.memory_space<vmem>>) dst(%dma_wait3A_260 : memref<1280x16xf32, #tpu.memory_space<hbm>>)
    %dma_start3A_261 = arith.constant 20480 : i32
    %dma_start3A_262 = tpu.memref_slice %arg5[%dma_start3A_261] : memref<25600xi32, #tpu.memory_space<vmem>> -> memref<1280xi32, #tpu.memory_space<vmem>>
    %dma_start3A_263 = arith.constant 0 : i32
    %dma_start3A_264 = arith.constant 0 : i32
    %dma_start3A_265 = tpu.memref_slice %arg2[%dma_start3A_263, %dma_start3A_264] : memref<1000000x16xf32, #tpu.memory_space<hbm>> -> memref<1000000x16xf32, #tpu.memory_space<hbm>>
    tpu.enqueue_indirect_dma source(%dma_start3A_265 : memref<1000000x16xf32, #tpu.memory_space<hbm>>) target(%arg7 : memref<1280x16xf32, #tpu.memory_space<vmem>>) offsets(%dma_start3A_262 : memref<1280xi32, #tpu.memory_space<vmem>>) semaphore(%arg12 : memref<!tpu.dma_semaphore, #tpu.memory_space<semaphore_mem>>)
    %dma_wait3A_266 = arith.constant 15360 : i32
    %dma_wait3A_267 = tpu.memref_slice %arg5[%dma_wait3A_266] : memref<25600xi32, #tpu.memory_space<vmem>> -> memref<1280xi32, #tpu.memory_space<vmem>>
    %dma_wait3A_268 = arith.constant 0 : i32
    %dma_wait3A_269 = arith.constant 0 : i32
    %dma_wait3A_270 = tpu.memref_slice %arg2[%dma_wait3A_268, %dma_wait3A_269] : memref<1000000x16xf32, #tpu.memory_space<hbm>> -> memref<1000000x16xf32, #tpu.memory_space<hbm>>
    tpu.wait_indirect_dma semaphore(%arg13 : memref<!tpu.dma_semaphore, #tpu.memory_space<semaphore_mem>>) src(%dma_wait3A_270 : memref<1000000x16xf32, #tpu.memory_space<hbm>>) dst(%arg8 : memref<1280x16xf32, #tpu.memory_space<vmem>>)
    %add3A_271 = arith.constant 15360 : i32
    %add3A_272 = arith.addi %mul3A_2, %add3A_271 : i32
    %dma_start3A_273 = arith.constant 0 : i32
    %dma_start3A_274 = tpu.memref_slice %arg4[%add3A_272, %dma_start3A_273] : memref<819200x16xf32, #tpu.memory_space<hbm>> -> memref<1280x16xf32, #tpu.memory_space<hbm>>
    %dma_start3A_275 = arith.constant 0 : i32
    %dma_start3A_276 = tpu.memref_slice %arg4[%add3A_272, %dma_start3A_275] : memref<819200x16xf32, #tpu.memory_space<hbm>> -> memref<1280x16xf32, #tpu.memory_space<hbm>>
    tpu.enqueue_dma source(%arg8 : memref<1280x16xf32, #tpu.memory_space<vmem>>) target(%dma_start3A_276 : memref<1280x16xf32, #tpu.memory_space<hbm>>) target_semaphore(%arg18 : memref<!tpu.dma_semaphore, #tpu.memory_space<semaphore_mem>>)
    %dma_wait3A_277 = arith.constant 0 : i32
    %dma_wait3A_278 = tpu.memref_slice %arg4[%add3A_272, %dma_wait3A_277] : memref<819200x16xf32, #tpu.memory_space<hbm>> -> memref<1280x16xf32, #tpu.memory_space<hbm>>
    %dma_wait3A_279 = arith.constant 0 : i32
    %dma_wait3A_280 = tpu.memref_slice %arg4[%add3A_272, %dma_wait3A_279] : memref<819200x16xf32, #tpu.memory_space<hbm>> -> memref<1280x16xf32, #tpu.memory_space<hbm>>
    tpu.wait_dma2 semaphore(%arg18 : memref<!tpu.dma_semaphore, #tpu.memory_space<semaphore_mem>>) src(%arg8 : memref<1280x16xf32, #tpu.memory_space<vmem>>) dst(%dma_wait3A_280 : memref<1280x16xf32, #tpu.memory_space<hbm>>)
    %dma_start3A_281 = arith.constant 21760 : i32
    %dma_start3A_282 = tpu.memref_slice %arg5[%dma_start3A_281] : memref<25600xi32, #tpu.memory_space<vmem>> -> memref<1280xi32, #tpu.memory_space<vmem>>
    %dma_start3A_283 = arith.constant 0 : i32
    %dma_start3A_284 = arith.constant 0 : i32
    %dma_start3A_285 = tpu.memref_slice %arg2[%dma_start3A_283, %dma_start3A_284] : memref<1000000x16xf32, #tpu.memory_space<hbm>> -> memref<1000000x16xf32, #tpu.memory_space<hbm>>
    tpu.enqueue_indirect_dma source(%dma_start3A_285 : memref<1000000x16xf32, #tpu.memory_space<hbm>>) target(%arg8 : memref<1280x16xf32, #tpu.memory_space<vmem>>) offsets(%dma_start3A_282 : memref<1280xi32, #tpu.memory_space<vmem>>) semaphore(%arg13 : memref<!tpu.dma_semaphore, #tpu.memory_space<semaphore_mem>>)
    %dma_wait3A_286 = arith.constant 16640 : i32
    %dma_wait3A_287 = tpu.memref_slice %arg5[%dma_wait3A_286] : memref<25600xi32, #tpu.memory_space<vmem>> -> memref<1280xi32, #tpu.memory_space<vmem>>
    %dma_wait3A_288 = arith.constant 0 : i32
    %dma_wait3A_289 = arith.constant 0 : i32
    %dma_wait3A_290 = tpu.memref_slice %arg2[%dma_wait3A_288, %dma_wait3A_289] : memref<1000000x16xf32, #tpu.memory_space<hbm>> -> memref<1000000x16xf32, #tpu.memory_space<hbm>>
    tpu.wait_indirect_dma semaphore(%arg14 : memref<!tpu.dma_semaphore, #tpu.memory_space<semaphore_mem>>) src(%dma_wait3A_290 : memref<1000000x16xf32, #tpu.memory_space<hbm>>) dst(%arg9 : memref<1280x16xf32, #tpu.memory_space<vmem>>)
    %add3A_291 = arith.constant 16640 : i32
    %add3A_292 = arith.addi %mul3A_2, %add3A_291 : i32
    %dma_start3A_293 = arith.constant 0 : i32
    %dma_start3A_294 = tpu.memref_slice %arg4[%add3A_292, %dma_start3A_293] : memref<819200x16xf32, #tpu.memory_space<hbm>> -> memref<1280x16xf32, #tpu.memory_space<hbm>>
    %dma_start3A_295 = arith.constant 0 : i32
    %dma_start3A_296 = tpu.memref_slice %arg4[%add3A_292, %dma_start3A_295] : memref<819200x16xf32, #tpu.memory_space<hbm>> -> memref<1280x16xf32, #tpu.memory_space<hbm>>
    tpu.enqueue_dma source(%arg9 : memref<1280x16xf32, #tpu.memory_space<vmem>>) target(%dma_start3A_296 : memref<1280x16xf32, #tpu.memory_space<hbm>>) target_semaphore(%arg19 : memref<!tpu.dma_semaphore, #tpu.memory_space<semaphore_mem>>)
    %dma_wait3A_297 = arith.constant 0 : i32
    %dma_wait3A_298 = tpu.memref_slice %arg4[%add3A_292, %dma_wait3A_297] : memref<819200x16xf32, #tpu.memory_space<hbm>> -> memref<1280x16xf32, #tpu.memory_space<hbm>>
    %dma_wait3A_299 = arith.constant 0 : i32
    %dma_wait3A_300 = tpu.memref_slice %arg4[%add3A_292, %dma_wait3A_299] : memref<819200x16xf32, #tpu.memory_space<hbm>> -> memref<1280x16xf32, #tpu.memory_space<hbm>>
    tpu.wait_dma2 semaphore(%arg19 : memref<!tpu.dma_semaphore, #tpu.memory_space<semaphore_mem>>) src(%arg9 : memref<1280x16xf32, #tpu.memory_space<vmem>>) dst(%dma_wait3A_300 : memref<1280x16xf32, #tpu.memory_space<hbm>>)
    %dma_start3A_301 = arith.constant 23040 : i32
    %dma_start3A_302 = tpu.memref_slice %arg5[%dma_start3A_301] : memref<25600xi32, #tpu.memory_space<vmem>> -> memref<1280xi32, #tpu.memory_space<vmem>>
    %dma_start3A_303 = arith.constant 0 : i32
    %dma_start3A_304 = arith.constant 0 : i32
    %dma_start3A_305 = tpu.memref_slice %arg2[%dma_start3A_303, %dma_start3A_304] : memref<1000000x16xf32, #tpu.memory_space<hbm>> -> memref<1000000x16xf32, #tpu.memory_space<hbm>>
    tpu.enqueue_indirect_dma source(%dma_start3A_305 : memref<1000000x16xf32, #tpu.memory_space<hbm>>) target(%arg9 : memref<1280x16xf32, #tpu.memory_space<vmem>>) offsets(%dma_start3A_302 : memref<1280xi32, #tpu.memory_space<vmem>>) semaphore(%arg14 : memref<!tpu.dma_semaphore, #tpu.memory_space<semaphore_mem>>)
    %dma_wait3A_306 = arith.constant 17920 : i32
    %dma_wait3A_307 = tpu.memref_slice %arg5[%dma_wait3A_306] : memref<25600xi32, #tpu.memory_space<vmem>> -> memref<1280xi32, #tpu.memory_space<vmem>>
    %dma_wait3A_308 = arith.constant 0 : i32
    %dma_wait3A_309 = arith.constant 0 : i32
    %dma_wait3A_310 = tpu.memref_slice %arg2[%dma_wait3A_308, %dma_wait3A_309] : memref<1000000x16xf32, #tpu.memory_space<hbm>> -> memref<1000000x16xf32, #tpu.memory_space<hbm>>
    tpu.wait_indirect_dma semaphore(%arg15 : memref<!tpu.dma_semaphore, #tpu.memory_space<semaphore_mem>>) src(%dma_wait3A_310 : memref<1000000x16xf32, #tpu.memory_space<hbm>>) dst(%arg10 : memref<1280x16xf32, #tpu.memory_space<vmem>>)
    %add3A_311 = arith.constant 17920 : i32
    %add3A_312 = arith.addi %mul3A_2, %add3A_311 : i32
    %dma_start3A_313 = arith.constant 0 : i32
    %dma_start3A_314 = tpu.memref_slice %arg4[%add3A_312, %dma_start3A_313] : memref<819200x16xf32, #tpu.memory_space<hbm>> -> memref<1280x16xf32, #tpu.memory_space<hbm>>
    %dma_start3A_315 = arith.constant 0 : i32
    %dma_start3A_316 = tpu.memref_slice %arg4[%add3A_312, %dma_start3A_315] : memref<819200x16xf32, #tpu.memory_space<hbm>> -> memref<1280x16xf32, #tpu.memory_space<hbm>>
    tpu.enqueue_dma source(%arg10 : memref<1280x16xf32, #tpu.memory_space<vmem>>) target(%dma_start3A_316 : memref<1280x16xf32, #tpu.memory_space<hbm>>) target_semaphore(%arg20 : memref<!tpu.dma_semaphore, #tpu.memory_space<semaphore_mem>>)
    %dma_wait3A_317 = arith.constant 0 : i32
    %dma_wait3A_318 = tpu.memref_slice %arg4[%add3A_312, %dma_wait3A_317] : memref<819200x16xf32, #tpu.memory_space<hbm>> -> memref<1280x16xf32, #tpu.memory_space<hbm>>
    %dma_wait3A_319 = arith.constant 0 : i32
    %dma_wait3A_320 = tpu.memref_slice %arg4[%add3A_312, %dma_wait3A_319] : memref<819200x16xf32, #tpu.memory_space<hbm>> -> memref<1280x16xf32, #tpu.memory_space<hbm>>
    tpu.wait_dma2 semaphore(%arg20 : memref<!tpu.dma_semaphore, #tpu.memory_space<semaphore_mem>>) src(%arg10 : memref<1280x16xf32, #tpu.memory_space<vmem>>) dst(%dma_wait3A_320 : memref<1280x16xf32, #tpu.memory_space<hbm>>)
    %dma_start3A_321 = arith.constant 24320 : i32
    %dma_start3A_322 = tpu.memref_slice %arg5[%dma_start3A_321] : memref<25600xi32, #tpu.memory_space<vmem>> -> memref<1280xi32, #tpu.memory_space<vmem>>
    %dma_start3A_323 = arith.constant 0 : i32
    %dma_start3A_324 = arith.constant 0 : i32
    %dma_start3A_325 = tpu.memref_slice %arg2[%dma_start3A_323, %dma_start3A_324] : memref<1000000x16xf32, #tpu.memory_space<hbm>> -> memref<1000000x16xf32, #tpu.memory_space<hbm>>
    tpu.enqueue_indirect_dma source(%dma_start3A_325 : memref<1000000x16xf32, #tpu.memory_space<hbm>>) target(%arg10 : memref<1280x16xf32, #tpu.memory_space<vmem>>) offsets(%dma_start3A_322 : memref<1280xi32, #tpu.memory_space<vmem>>) semaphore(%arg15 : memref<!tpu.dma_semaphore, #tpu.memory_space<semaphore_mem>>)
    %dma_wait3A_326 = arith.constant 19200 : i32
    %dma_wait3A_327 = tpu.memref_slice %arg5[%dma_wait3A_326] : memref<25600xi32, #tpu.memory_space<vmem>> -> memref<1280xi32, #tpu.memory_space<vmem>>
    %dma_wait3A_328 = arith.constant 0 : i32
    %dma_wait3A_329 = arith.constant 0 : i32
    %dma_wait3A_330 = tpu.memref_slice %arg2[%dma_wait3A_328, %dma_wait3A_329] : memref<1000000x16xf32, #tpu.memory_space<hbm>> -> memref<1000000x16xf32, #tpu.memory_space<hbm>>
    tpu.wait_indirect_dma semaphore(%arg11 : memref<!tpu.dma_semaphore, #tpu.memory_space<semaphore_mem>>) src(%dma_wait3A_330 : memref<1000000x16xf32, #tpu.memory_space<hbm>>) dst(%arg6 : memref<1280x16xf32, #tpu.memory_space<vmem>>)
    %add3A_331 = arith.constant 19200 : i32
    %add3A_332 = arith.addi %mul3A_2, %add3A_331 : i32
    %dma_start3A_333 = arith.constant 0 : i32
    %dma_start3A_334 = tpu.memref_slice %arg4[%add3A_332, %dma_start3A_333] : memref<819200x16xf32, #tpu.memory_space<hbm>> -> memref<1280x16xf32, #tpu.memory_space<hbm>>
    %dma_start3A_335 = arith.constant 0 : i32
    %dma_start3A_336 = tpu.memref_slice %arg4[%add3A_332, %dma_start3A_335] : memref<819200x16xf32, #tpu.memory_space<hbm>> -> memref<1280x16xf32, #tpu.memory_space<hbm>>
    tpu.enqueue_dma source(%arg6 : memref<1280x16xf32, #tpu.memory_space<vmem>>) target(%dma_start3A_336 : memref<1280x16xf32, #tpu.memory_space<hbm>>) target_semaphore(%arg16 : memref<!tpu.dma_semaphore, #tpu.memory_space<semaphore_mem>>)
    %dma_wait3A_337 = arith.constant 20480 : i32
    %dma_wait3A_338 = tpu.memref_slice %arg5[%dma_wait3A_337] : memref<25600xi32, #tpu.memory_space<vmem>> -> memref<1280xi32, #tpu.memory_space<vmem>>
    %dma_wait3A_339 = arith.constant 0 : i32
    %dma_wait3A_340 = arith.constant 0 : i32
    %dma_wait3A_341 = tpu.memref_slice %arg2[%dma_wait3A_339, %dma_wait3A_340] : memref<1000000x16xf32, #tpu.memory_space<hbm>> -> memref<1000000x16xf32, #tpu.memory_space<hbm>>
    tpu.wait_indirect_dma semaphore(%arg12 : memref<!tpu.dma_semaphore, #tpu.memory_space<semaphore_mem>>) src(%dma_wait3A_341 : memref<1000000x16xf32, #tpu.memory_space<hbm>>) dst(%arg7 : memref<1280x16xf32, #tpu.memory_space<vmem>>)
    %add3A_342 = arith.constant 20480 : i32
    %add3A_343 = arith.addi %mul3A_2, %add3A_342 : i32
    %dma_start3A_344 = arith.constant 0 : i32
    %dma_start3A_345 = tpu.memref_slice %arg4[%add3A_343, %dma_start3A_344] : memref<819200x16xf32, #tpu.memory_space<hbm>> -> memref<1280x16xf32, #tpu.memory_space<hbm>>
    %dma_start3A_346 = arith.constant 0 : i32
    %dma_start3A_347 = tpu.memref_slice %arg4[%add3A_343, %dma_start3A_346] : memref<819200x16xf32, #tpu.memory_space<hbm>> -> memref<1280x16xf32, #tpu.memory_space<hbm>>
    tpu.enqueue_dma source(%arg7 : memref<1280x16xf32, #tpu.memory_space<vmem>>) target(%dma_start3A_347 : memref<1280x16xf32, #tpu.memory_space<hbm>>) target_semaphore(%arg17 : memref<!tpu.dma_semaphore, #tpu.memory_space<semaphore_mem>>)
    %dma_wait3A_348 = arith.constant 21760 : i32
    %dma_wait3A_349 = tpu.memref_slice %arg5[%dma_wait3A_348] : memref<25600xi32, #tpu.memory_space<vmem>> -> memref<1280xi32, #tpu.memory_space<vmem>>
    %dma_wait3A_350 = arith.constant 0 : i32
    %dma_wait3A_351 = arith.constant 0 : i32
    %dma_wait3A_352 = tpu.memref_slice %arg2[%dma_wait3A_350, %dma_wait3A_351] : memref<1000000x16xf32, #tpu.memory_space<hbm>> -> memref<1000000x16xf32, #tpu.memory_space<hbm>>
    tpu.wait_indirect_dma semaphore(%arg13 : memref<!tpu.dma_semaphore, #tpu.memory_space<semaphore_mem>>) src(%dma_wait3A_352 : memref<1000000x16xf32, #tpu.memory_space<hbm>>) dst(%arg8 : memref<1280x16xf32, #tpu.memory_space<vmem>>)
    %add3A_353 = arith.constant 21760 : i32
    %add3A_354 = arith.addi %mul3A_2, %add3A_353 : i32
    %dma_start3A_355 = arith.constant 0 : i32
    %dma_start3A_356 = tpu.memref_slice %arg4[%add3A_354, %dma_start3A_355] : memref<819200x16xf32, #tpu.memory_space<hbm>> -> memref<1280x16xf32, #tpu.memory_space<hbm>>
    %dma_start3A_357 = arith.constant 0 : i32
    %dma_start3A_358 = tpu.memref_slice %arg4[%add3A_354, %dma_start3A_357] : memref<819200x16xf32, #tpu.memory_space<hbm>> -> memref<1280x16xf32, #tpu.memory_space<hbm>>
    tpu.enqueue_dma source(%arg8 : memref<1280x16xf32, #tpu.memory_space<vmem>>) target(%dma_start3A_358 : memref<1280x16xf32, #tpu.memory_space<hbm>>) target_semaphore(%arg18 : memref<!tpu.dma_semaphore, #tpu.memory_space<semaphore_mem>>)
    %dma_wait3A_359 = arith.constant 23040 : i32
    %dma_wait3A_360 = tpu.memref_slice %arg5[%dma_wait3A_359] : memref<25600xi32, #tpu.memory_space<vmem>> -> memref<1280xi32, #tpu.memory_space<vmem>>
    %dma_wait3A_361 = arith.constant 0 : i32
    %dma_wait3A_362 = arith.constant 0 : i32
    %dma_wait3A_363 = tpu.memref_slice %arg2[%dma_wait3A_361, %dma_wait3A_362] : memref<1000000x16xf32, #tpu.memory_space<hbm>> -> memref<1000000x16xf32, #tpu.memory_space<hbm>>
    tpu.wait_indirect_dma semaphore(%arg14 : memref<!tpu.dma_semaphore, #tpu.memory_space<semaphore_mem>>) src(%dma_wait3A_363 : memref<1000000x16xf32, #tpu.memory_space<hbm>>) dst(%arg9 : memref<1280x16xf32, #tpu.memory_space<vmem>>)
    %add3A_364 = arith.constant 23040 : i32
    %add3A_365 = arith.addi %mul3A_2, %add3A_364 : i32
    %dma_start3A_366 = arith.constant 0 : i32
    %dma_start3A_367 = tpu.memref_slice %arg4[%add3A_365, %dma_start3A_366] : memref<819200x16xf32, #tpu.memory_space<hbm>> -> memref<1280x16xf32, #tpu.memory_space<hbm>>
    %dma_start3A_368 = arith.constant 0 : i32
    %dma_start3A_369 = tpu.memref_slice %arg4[%add3A_365, %dma_start3A_368] : memref<819200x16xf32, #tpu.memory_space<hbm>> -> memref<1280x16xf32, #tpu.memory_space<hbm>>
    tpu.enqueue_dma source(%arg9 : memref<1280x16xf32, #tpu.memory_space<vmem>>) target(%dma_start3A_369 : memref<1280x16xf32, #tpu.memory_space<hbm>>) target_semaphore(%arg19 : memref<!tpu.dma_semaphore, #tpu.memory_space<semaphore_mem>>)
    %dma_wait3A_370 = arith.constant 24320 : i32
    %dma_wait3A_371 = tpu.memref_slice %arg5[%dma_wait3A_370] : memref<25600xi32, #tpu.memory_space<vmem>> -> memref<1280xi32, #tpu.memory_space<vmem>>
    %dma_wait3A_372 = arith.constant 0 : i32
    %dma_wait3A_373 = arith.constant 0 : i32
    %dma_wait3A_374 = tpu.memref_slice %arg2[%dma_wait3A_372, %dma_wait3A_373] : memref<1000000x16xf32, #tpu.memory_space<hbm>> -> memref<1000000x16xf32, #tpu.memory_space<hbm>>
    tpu.wait_indirect_dma semaphore(%arg15 : memref<!tpu.dma_semaphore, #tpu.memory_space<semaphore_mem>>) src(%dma_wait3A_374 : memref<1000000x16xf32, #tpu.memory_space<hbm>>) dst(%arg10 : memref<1280x16xf32, #tpu.memory_space<vmem>>)
    %add3A_375 = arith.constant 24320 : i32
    %add3A_376 = arith.addi %mul3A_2, %add3A_375 : i32
    %dma_start3A_377 = arith.constant 0 : i32
    %dma_start3A_378 = tpu.memref_slice %arg4[%add3A_376, %dma_start3A_377] : memref<819200x16xf32, #tpu.memory_space<hbm>> -> memref<1280x16xf32, #tpu.memory_space<hbm>>
    %dma_start3A_379 = arith.constant 0 : i32
    %dma_start3A_380 = tpu.memref_slice %arg4[%add3A_376, %dma_start3A_379] : memref<819200x16xf32, #tpu.memory_space<hbm>> -> memref<1280x16xf32, #tpu.memory_space<hbm>>
    tpu.enqueue_dma source(%arg10 : memref<1280x16xf32, #tpu.memory_space<vmem>>) target(%dma_start3A_380 : memref<1280x16xf32, #tpu.memory_space<hbm>>) target_semaphore(%arg20 : memref<!tpu.dma_semaphore, #tpu.memory_space<semaphore_mem>>)
    %dma_wait3A_381 = arith.constant 0 : i32
    %dma_wait3A_382 = tpu.memref_slice %arg4[%add3A_332, %dma_wait3A_381] : memref<819200x16xf32, #tpu.memory_space<hbm>> -> memref<1280x16xf32, #tpu.memory_space<hbm>>
    %dma_wait3A_383 = arith.constant 0 : i32
    %dma_wait3A_384 = tpu.memref_slice %arg4[%add3A_332, %dma_wait3A_383] : memref<819200x16xf32, #tpu.memory_space<hbm>> -> memref<1280x16xf32, #tpu.memory_space<hbm>>
    tpu.wait_dma2 semaphore(%arg16 : memref<!tpu.dma_semaphore, #tpu.memory_space<semaphore_mem>>) src(%arg6 : memref<1280x16xf32, #tpu.memory_space<vmem>>) dst(%dma_wait3A_384 : memref<1280x16xf32, #tpu.memory_space<hbm>>)
    %dma_wait3A_385 = arith.constant 0 : i32
    %dma_wait3A_386 = tpu.memref_slice %arg4[%add3A_343, %dma_wait3A_385] : memref<819200x16xf32, #tpu.memory_space<hbm>> -> memref<1280x16xf32, #tpu.memory_space<hbm>>
    %dma_wait3A_387 = arith.constant 0 : i32
    %dma_wait3A_388 = tpu.memref_slice %arg4[%add3A_343, %dma_wait3A_387] : memref<819200x16xf32, #tpu.memory_space<hbm>> -> memref<1280x16xf32, #tpu.memory_space<hbm>>
    tpu.wait_dma2 semaphore(%arg17 : memref<!tpu.dma_semaphore, #tpu.memory_space<semaphore_mem>>) src(%arg7 : memref<1280x16xf32, #tpu.memory_space<vmem>>) dst(%dma_wait3A_388 : memref<1280x16xf32, #tpu.memory_space<hbm>>)
    %dma_wait3A_389 = arith.constant 0 : i32
    %dma_wait3A_390 = tpu.memref_slice %arg4[%add3A_354, %dma_wait3A_389] : memref<819200x16xf32, #tpu.memory_space<hbm>> -> memref<1280x16xf32, #tpu.memory_space<hbm>>
    %dma_wait3A_391 = arith.constant 0 : i32
    %dma_wait3A_392 = tpu.memref_slice %arg4[%add3A_354, %dma_wait3A_391] : memref<819200x16xf32, #tpu.memory_space<hbm>> -> memref<1280x16xf32, #tpu.memory_space<hbm>>
    tpu.wait_dma2 semaphore(%arg18 : memref<!tpu.dma_semaphore, #tpu.memory_space<semaphore_mem>>) src(%arg8 : memref<1280x16xf32, #tpu.memory_space<vmem>>) dst(%dma_wait3A_392 : memref<1280x16xf32, #tpu.memory_space<hbm>>)
    %dma_wait3A_393 = arith.constant 0 : i32
    %dma_wait3A_394 = tpu.memref_slice %arg4[%add3A_365, %dma_wait3A_393] : memref<819200x16xf32, #tpu.memory_space<hbm>> -> memref<1280x16xf32, #tpu.memory_space<hbm>>
    %dma_wait3A_395 = arith.constant 0 : i32
    %dma_wait3A_396 = tpu.memref_slice %arg4[%add3A_365, %dma_wait3A_395] : memref<819200x16xf32, #tpu.memory_space<hbm>> -> memref<1280x16xf32, #tpu.memory_space<hbm>>
    tpu.wait_dma2 semaphore(%arg19 : memref<!tpu.dma_semaphore, #tpu.memory_space<semaphore_mem>>) src(%arg9 : memref<1280x16xf32, #tpu.memory_space<vmem>>) dst(%dma_wait3A_396 : memref<1280x16xf32, #tpu.memory_space<hbm>>)
    %dma_wait3A_397 = arith.constant 0 : i32
    %dma_wait3A_398 = tpu.memref_slice %arg4[%add3A_376, %dma_wait3A_397] : memref<819200x16xf32, #tpu.memory_space<hbm>> -> memref<1280x16xf32, #tpu.memory_space<hbm>>
    %dma_wait3A_399 = arith.constant 0 : i32
    %dma_wait3A_400 = tpu.memref_slice %arg4[%add3A_376, %dma_wait3A_399] : memref<819200x16xf32, #tpu.memory_space<hbm>> -> memref<1280x16xf32, #tpu.memory_space<hbm>>
    tpu.wait_dma2 semaphore(%arg20 : memref<!tpu.dma_semaphore, #tpu.memory_space<semaphore_mem>>) src(%arg10 : memref<1280x16xf32, #tpu.memory_space<vmem>>) dst(%dma_wait3A_400 : memref<1280x16xf32, #tpu.memory_space<hbm>>)
    return
  }
}

module attributes {stable_mosaic.version = 14 : i64} {
  func.func @_idx_body(%arg0: i32, %arg1: memref<100x8192xi32, #tpu.memory_space<vmem>>, %arg2: memref<100x8192xi32, #tpu.memory_space<vmem>>) attributes {dimension_semantics = [#tpu.dimension_semantics<arbitrary>], iteration_bounds = array<i64: 1>, scalar_prefetch = 0 : i64, scratch_operands = 0 : i64, tpu.core_type = #tpu.core_type<tc>, window_params = [{pipeline_mode = #tpu.pipeline_mode<synchronous>, transform_indices = @transform_0, window_bounds = array<i64: 100, 8192>}, {pipeline_mode = #tpu.pipeline_mode<synchronous>, transform_indices = @transform_1, window_bounds = array<i64: 100, 8192>}]} {
    %get3A = arith.constant 0 : index
    %get3A_0 = arith.constant 0 : index
    %get3A_1 = vector.load %arg1[%get3A, %get3A_0] : memref<100x8192xi32, #tpu.memory_space<vmem>>, vector<100x8192xi32>
    %div3A = arith.constant 125000 : i32
    %div3A_2 = vector.broadcast %div3A : i32 to vector<100x8192xi32>
    %div3A_3 = arith.divsi %get3A_1, %div3A_2 : vector<100x8192xi32>
    %mul3A = arith.constant 125000 : i32
    %mul3A_4 = vector.broadcast %mul3A : i32 to vector<100x8192xi32>
    %mul3A_5 = arith.muli %div3A_3, %mul3A_4 : vector<100x8192xi32>
    %sub3A = arith.subi %get3A_1, %mul3A_5 : vector<100x8192xi32>
    %mul3A_6 = arith.constant 8 : i32
    %mul3A_7 = vector.broadcast %mul3A_6 : i32 to vector<100x8192xi32>
    %mul3A_8 = arith.muli %sub3A, %mul3A_7 : vector<100x8192xi32>
    %add3A = arith.addi %mul3A_8, %div3A_3 : vector<100x8192xi32>
    %swap3A = arith.constant 0 : index
    %swap3A_9 = arith.constant 0 : index
    %swap3A_10 = vector.load %arg2[%swap3A, %swap3A_9] : memref<100x8192xi32, #tpu.memory_space<vmem>>, vector<100x8192xi32>
    tpu.vector_store %arg2[%swap3A, %swap3A_9], %add3A {strides = array<i32>} : memref<100x8192xi32, #tpu.memory_space<vmem>>, vector<100x8192xi32>,
    return
  }
  func.func @transform_0(%arg0: i32) -> (i32, i32) {
    %c0_i32 = arith.constant 0 : i32
    %c0_i32_0 = arith.constant 0 : i32
    %c0_i32_1 = arith.constant 0 : i32
    return %c0_i32, %c0_i32_0 : i32, i32
  }
  func.func @transform_1(%arg0: i32) -> (i32, i32) {
    %c0_i32 = arith.constant 0 : i32
    %c0_i32_0 = arith.constant 0 : i32
    %c0_i32_1 = arith.constant 0 : i32
    return %c0_i32, %c0_i32_0 : i32, i32
  }
}

module attributes {stable_mosaic.version = 14 : i64} {
  func.func @_table_body(%arg0: i32, %arg1: memref<1000x128xf32, #tpu.memory_space<vmem>>, %arg2: memref<1000x128xf32, #tpu.memory_space<vmem>>, %arg3: memref<1000x128xf32, #tpu.memory_space<vmem>>, %arg4: memref<1000x128xf32, #tpu.memory_space<vmem>>, %arg5: memref<1000x128xf32, #tpu.memory_space<vmem>>, %arg6: memref<1000x128xf32, #tpu.memory_space<vmem>>, %arg7: memref<1000x128xf32, #tpu.memory_space<vmem>>, %arg8: memref<1000x128xf32, #tpu.memory_space<vmem>>, %arg9: memref<128x100xf32, #tpu.memory_space<vmem>>, %arg10: memref<1x100xf32, #tpu.memory_space<vmem>>, %arg11: memref<100x16xf32, #tpu.memory_space<vmem>>, %arg12: memref<1x16xf32, #tpu.memory_space<vmem>>, %arg13: memref<1000x128xf32, #tpu.memory_space<vmem>>) attributes {dimension_semantics = [#tpu.dimension_semantics<arbitrary>], iteration_bounds = array<i64: 125>, scalar_prefetch = 0 : i64, scratch_operands = 0 : i64, tpu.core_type = #tpu.core_type<tc>, window_params = [{transform_indices = @transform_0, window_bounds = array<i64: 1000, 128>}, {transform_indices = @transform_1, window_bounds = array<i64: 1000, 128>}, {transform_indices = @transform_2, window_bounds = array<i64: 1000, 128>}, {transform_indices = @transform_3, window_bounds = array<i64: 1000, 128>}, {transform_indices = @transform_4, window_bounds = array<i64: 1000, 128>}, {transform_indices = @transform_5, window_bounds = array<i64: 1000, 128>}, {transform_indices = @transform_6, window_bounds = array<i64: 1000, 128>}, {transform_indices = @transform_7, window_bounds = array<i64: 1000, 128>}, {pipeline_mode = #tpu.pipeline_mode<synchronous>, transform_indices = @transform_8, window_bounds = array<i64: 128, 100>}, {pipeline_mode = #tpu.pipeline_mode<synchronous>, transform_indices = @transform_9, window_bounds = array<i64: 1, 100>}, {pipeline_mode = #tpu.pipeline_mode<synchronous>, transform_indices = @transform_10, window_bounds = array<i64: 100, 16>}, {pipeline_mode = #tpu.pipeline_mode<synchronous>, transform_indices = @transform_11, window_bounds = array<i64: 1, 16>}, {transform_indices = @transform_12, window_bounds = array<i64: 1000, 128>}]} {
    %get3A = arith.constant 0 : index
    %get3A_0 = arith.constant 0 : index
    %get3A_1 = vector.load %arg9[%get3A, %get3A_0] : memref<128x100xf32, #tpu.memory_space<vmem>>, vector<128x100xf32>
    %get3A_2 = arith.constant 0 : index
    %get3A_3 = arith.constant 0 : index
    %get3A_4 = vector.load %arg10[%get3A_2, %get3A_3] : memref<1x100xf32, #tpu.memory_space<vmem>>, vector<1x100xf32>
    %get3A_5 = arith.constant 0 : index
    %get3A_6 = arith.constant 0 : index
    %get3A_7 = vector.load %arg11[%get3A_5, %get3A_6] : memref<100x16xf32, #tpu.memory_space<vmem>>, vector<100x16xf32>
    %get3A_8 = arith.constant 0 : index
    %get3A_9 = arith.constant 0 : index
    %get3A_10 = vector.load %arg12[%get3A_8, %get3A_9] : memref<1x16xf32, #tpu.memory_space<vmem>>, vector<1x16xf32>
    %get3A_11 = arith.constant 0 : index
    %get3A_12 = arith.constant 0 : index
    %get3A_13 = vector.load %arg1[%get3A_11, %get3A_12] : memref<1000x128xf32, #tpu.memory_space<vmem>>, vector<1000x128xf32>
    %dot_general3A = arith.constant dense<0.000000e+00> : vector<1000x100xf32>
    %dot_general3A_14 = tpu.matmul %get3A_13, %get3A_1, %dot_general3A {dimension_numbers = #tpu.dot_dimension_numbers<[1], [0], [0], [1], [0, 0, 1, 1], [], []>, transpose_lhs_hint = false} : vector<1000x128xf32>, vector<128x100xf32>, vector<1000x100xf32> -> vector<1000x100xf32>
    %add3A = vector.broadcast %get3A_4 : vector<1x100xf32> to vector<1000x100xf32>
    %add3A_15 = arith.addf %dot_general3A_14, %add3A : vector<1000x100xf32>
    %max3A = arith.constant 0.000000e+00 : f32
    %max3A_16 = vector.broadcast %max3A : f32 to vector<1000x100xf32>
    %max3A_17 = arith.maximumf %add3A_15, %max3A_16 : vector<1000x100xf32>
    %dot_general3A_18 = arith.constant dense<0.000000e+00> : vector<1000x16xf32>
    %dot_general3A_19 = tpu.matmul %max3A_17, %get3A_7, %dot_general3A_18 {dimension_numbers = #tpu.dot_dimension_numbers<[1], [0], [0], [1], [0, 0, 1, 1], [], []>, transpose_lhs_hint = false} : vector<1000x100xf32>, vector<100x16xf32>, vector<1000x16xf32> -> vector<1000x16xf32>
    %add3A_20 = vector.broadcast %get3A_10 : vector<1x16xf32> to vector<1000x16xf32>
    %add3A_21 = arith.addf %dot_general3A_19, %add3A_20 : vector<1000x16xf32>
    %get3A_22 = arith.constant 0 : index
    %get3A_23 = arith.constant 0 : index
    %get3A_24 = vector.load %arg2[%get3A_22, %get3A_23] : memref<1000x128xf32, #tpu.memory_space<vmem>>, vector<1000x128xf32>
    %dot_general3A_25 = arith.constant dense<0.000000e+00> : vector<1000x100xf32>
    %dot_general3A_26 = tpu.matmul %get3A_24, %get3A_1, %dot_general3A_25 {dimension_numbers = #tpu.dot_dimension_numbers<[1], [0], [0], [1], [0, 0, 1, 1], [], []>, transpose_lhs_hint = false} : vector<1000x128xf32>, vector<128x100xf32>, vector<1000x100xf32> -> vector<1000x100xf32>
    %add3A_27 = vector.broadcast %get3A_4 : vector<1x100xf32> to vector<1000x100xf32>
    %add3A_28 = arith.addf %dot_general3A_26, %add3A_27 : vector<1000x100xf32>
    %max3A_29 = arith.constant 0.000000e+00 : f32
    %max3A_30 = vector.broadcast %max3A_29 : f32 to vector<1000x100xf32>
    %max3A_31 = arith.maximumf %add3A_28, %max3A_30 : vector<1000x100xf32>
    %dot_general3A_32 = arith.constant dense<0.000000e+00> : vector<1000x16xf32>
    %dot_general3A_33 = tpu.matmul %max3A_31, %get3A_7, %dot_general3A_32 {dimension_numbers = #tpu.dot_dimension_numbers<[1], [0], [0], [1], [0, 0, 1, 1], [], []>, transpose_lhs_hint = false} : vector<1000x100xf32>, vector<100x16xf32>, vector<1000x16xf32> -> vector<1000x16xf32>
    %add3A_34 = vector.broadcast %get3A_10 : vector<1x16xf32> to vector<1000x16xf32>
    %add3A_35 = arith.addf %dot_general3A_33, %add3A_34 : vector<1000x16xf32>
    %get3A_36 = arith.constant 0 : index
    %get3A_37 = arith.constant 0 : index
    %get3A_38 = vector.load %arg3[%get3A_36, %get3A_37] : memref<1000x128xf32, #tpu.memory_space<vmem>>, vector<1000x128xf32>
    %dot_general3A_39 = arith.constant dense<0.000000e+00> : vector<1000x100xf32>
    %dot_general3A_40 = tpu.matmul %get3A_38, %get3A_1, %dot_general3A_39 {dimension_numbers = #tpu.dot_dimension_numbers<[1], [0], [0], [1], [0, 0, 1, 1], [], []>, transpose_lhs_hint = false} : vector<1000x128xf32>, vector<128x100xf32>, vector<1000x100xf32> -> vector<1000x100xf32>
    %add3A_41 = vector.broadcast %get3A_4 : vector<1x100xf32> to vector<1000x100xf32>
    %add3A_42 = arith.addf %dot_general3A_40, %add3A_41 : vector<1000x100xf32>
    %max3A_43 = arith.constant 0.000000e+00 : f32
    %max3A_44 = vector.broadcast %max3A_43 : f32 to vector<1000x100xf32>
    %max3A_45 = arith.maximumf %add3A_42, %max3A_44 : vector<1000x100xf32>
    %dot_general3A_46 = arith.constant dense<0.000000e+00> : vector<1000x16xf32>
    %dot_general3A_47 = tpu.matmul %max3A_45, %get3A_7, %dot_general3A_46 {dimension_numbers = #tpu.dot_dimension_numbers<[1], [0], [0], [1], [0, 0, 1, 1], [], []>, transpose_lhs_hint = false} : vector<1000x100xf32>, vector<100x16xf32>, vector<1000x16xf32> -> vector<1000x16xf32>
    %add3A_48 = vector.broadcast %get3A_10 : vector<1x16xf32> to vector<1000x16xf32>
    %add3A_49 = arith.addf %dot_general3A_47, %add3A_48 : vector<1000x16xf32>
    %get3A_50 = arith.constant 0 : index
    %get3A_51 = arith.constant 0 : index
    %get3A_52 = vector.load %arg4[%get3A_50, %get3A_51] : memref<1000x128xf32, #tpu.memory_space<vmem>>, vector<1000x128xf32>
    %dot_general3A_53 = arith.constant dense<0.000000e+00> : vector<1000x100xf32>
    %dot_general3A_54 = tpu.matmul %get3A_52, %get3A_1, %dot_general3A_53 {dimension_numbers = #tpu.dot_dimension_numbers<[1], [0], [0], [1], [0, 0, 1, 1], [], []>, transpose_lhs_hint = false} : vector<1000x128xf32>, vector<128x100xf32>, vector<1000x100xf32> -> vector<1000x100xf32>
    %add3A_55 = vector.broadcast %get3A_4 : vector<1x100xf32> to vector<1000x100xf32>
    %add3A_56 = arith.addf %dot_general3A_54, %add3A_55 : vector<1000x100xf32>
    %max3A_57 = arith.constant 0.000000e+00 : f32
    %max3A_58 = vector.broadcast %max3A_57 : f32 to vector<1000x100xf32>
    %max3A_59 = arith.maximumf %add3A_56, %max3A_58 : vector<1000x100xf32>
    %dot_general3A_60 = arith.constant dense<0.000000e+00> : vector<1000x16xf32>
    %dot_general3A_61 = tpu.matmul %max3A_59, %get3A_7, %dot_general3A_60 {dimension_numbers = #tpu.dot_dimension_numbers<[1], [0], [0], [1], [0, 0, 1, 1], [], []>, transpose_lhs_hint = false} : vector<1000x100xf32>, vector<100x16xf32>, vector<1000x16xf32> -> vector<1000x16xf32>
    %add3A_62 = vector.broadcast %get3A_10 : vector<1x16xf32> to vector<1000x16xf32>
    %add3A_63 = arith.addf %dot_general3A_61, %add3A_62 : vector<1000x16xf32>
    %get3A_64 = arith.constant 0 : index
    %get3A_65 = arith.constant 0 : index
    %get3A_66 = vector.load %arg5[%get3A_64, %get3A_65] : memref<1000x128xf32, #tpu.memory_space<vmem>>, vector<1000x128xf32>
    %dot_general3A_67 = arith.constant dense<0.000000e+00> : vector<1000x100xf32>
    %dot_general3A_68 = tpu.matmul %get3A_66, %get3A_1, %dot_general3A_67 {dimension_numbers = #tpu.dot_dimension_numbers<[1], [0], [0], [1], [0, 0, 1, 1], [], []>, transpose_lhs_hint = false} : vector<1000x128xf32>, vector<128x100xf32>, vector<1000x100xf32> -> vector<1000x100xf32>
    %add3A_69 = vector.broadcast %get3A_4 : vector<1x100xf32> to vector<1000x100xf32>
    %add3A_70 = arith.addf %dot_general3A_68, %add3A_69 : vector<1000x100xf32>
    %max3A_71 = arith.constant 0.000000e+00 : f32
    %max3A_72 = vector.broadcast %max3A_71 : f32 to vector<1000x100xf32>
    %max3A_73 = arith.maximumf %add3A_70, %max3A_72 : vector<1000x100xf32>
    %dot_general3A_74 = arith.constant dense<0.000000e+00> : vector<1000x16xf32>
    %dot_general3A_75 = tpu.matmul %max3A_73, %get3A_7, %dot_general3A_74 {dimension_numbers = #tpu.dot_dimension_numbers<[1], [0], [0], [1], [0, 0, 1, 1], [], []>, transpose_lhs_hint = false} : vector<1000x100xf32>, vector<100x16xf32>, vector<1000x16xf32> -> vector<1000x16xf32>
    %add3A_76 = vector.broadcast %get3A_10 : vector<1x16xf32> to vector<1000x16xf32>
    %add3A_77 = arith.addf %dot_general3A_75, %add3A_76 : vector<1000x16xf32>
    %get3A_78 = arith.constant 0 : index
    %get3A_79 = arith.constant 0 : index
    %get3A_80 = vector.load %arg6[%get3A_78, %get3A_79] : memref<1000x128xf32, #tpu.memory_space<vmem>>, vector<1000x128xf32>
    %dot_general3A_81 = arith.constant dense<0.000000e+00> : vector<1000x100xf32>
    %dot_general3A_82 = tpu.matmul %get3A_80, %get3A_1, %dot_general3A_81 {dimension_numbers = #tpu.dot_dimension_numbers<[1], [0], [0], [1], [0, 0, 1, 1], [], []>, transpose_lhs_hint = false} : vector<1000x128xf32>, vector<128x100xf32>, vector<1000x100xf32> -> vector<1000x100xf32>
    %add3A_83 = vector.broadcast %get3A_4 : vector<1x100xf32> to vector<1000x100xf32>
    %add3A_84 = arith.addf %dot_general3A_82, %add3A_83 : vector<1000x100xf32>
    %max3A_85 = arith.constant 0.000000e+00 : f32
    %max3A_86 = vector.broadcast %max3A_85 : f32 to vector<1000x100xf32>
    %max3A_87 = arith.maximumf %add3A_84, %max3A_86 : vector<1000x100xf32>
    %dot_general3A_88 = arith.constant dense<0.000000e+00> : vector<1000x16xf32>
    %dot_general3A_89 = tpu.matmul %max3A_87, %get3A_7, %dot_general3A_88 {dimension_numbers = #tpu.dot_dimension_numbers<[1], [0], [0], [1], [0, 0, 1, 1], [], []>, transpose_lhs_hint = false} : vector<1000x100xf32>, vector<100x16xf32>, vector<1000x16xf32> -> vector<1000x16xf32>
    %add3A_90 = vector.broadcast %get3A_10 : vector<1x16xf32> to vector<1000x16xf32>
    %add3A_91 = arith.addf %dot_general3A_89, %add3A_90 : vector<1000x16xf32>
    %get3A_92 = arith.constant 0 : index
    %get3A_93 = arith.constant 0 : index
    %get3A_94 = vector.load %arg7[%get3A_92, %get3A_93] : memref<1000x128xf32, #tpu.memory_space<vmem>>, vector<1000x128xf32>
    %dot_general3A_95 = arith.constant dense<0.000000e+00> : vector<1000x100xf32>
    %dot_general3A_96 = tpu.matmul %get3A_94, %get3A_1, %dot_general3A_95 {dimension_numbers = #tpu.dot_dimension_numbers<[1], [0], [0], [1], [0, 0, 1, 1], [], []>, transpose_lhs_hint = false} : vector<1000x128xf32>, vector<128x100xf32>, vector<1000x100xf32> -> vector<1000x100xf32>
    %add3A_97 = vector.broadcast %get3A_4 : vector<1x100xf32> to vector<1000x100xf32>
    %add3A_98 = arith.addf %dot_general3A_96, %add3A_97 : vector<1000x100xf32>
    %max3A_99 = arith.constant 0.000000e+00 : f32
    %max3A_100 = vector.broadcast %max3A_99 : f32 to vector<1000x100xf32>
    %max3A_101 = arith.maximumf %add3A_98, %max3A_100 : vector<1000x100xf32>
    %dot_general3A_102 = arith.constant dense<0.000000e+00> : vector<1000x16xf32>
    %dot_general3A_103 = tpu.matmul %max3A_101, %get3A_7, %dot_general3A_102 {dimension_numbers = #tpu.dot_dimension_numbers<[1], [0], [0], [1], [0, 0, 1, 1], [], []>, transpose_lhs_hint = false} : vector<1000x100xf32>, vector<100x16xf32>, vector<1000x16xf32> -> vector<1000x16xf32>
    %add3A_104 = vector.broadcast %get3A_10 : vector<1x16xf32> to vector<1000x16xf32>
    %add3A_105 = arith.addf %dot_general3A_103, %add3A_104 : vector<1000x16xf32>
    %get3A_106 = arith.constant 0 : index
    %get3A_107 = arith.constant 0 : index
    %get3A_108 = vector.load %arg8[%get3A_106, %get3A_107] : memref<1000x128xf32, #tpu.memory_space<vmem>>, vector<1000x128xf32>
    %dot_general3A_109 = arith.constant dense<0.000000e+00> : vector<1000x100xf32>
    %dot_general3A_110 = tpu.matmul %get3A_108, %get3A_1, %dot_general3A_109 {dimension_numbers = #tpu.dot_dimension_numbers<[1], [0], [0], [1], [0, 0, 1, 1], [], []>, transpose_lhs_hint = false} : vector<1000x128xf32>, vector<128x100xf32>, vector<1000x100xf32> -> vector<1000x100xf32>
    %add3A_111 = vector.broadcast %get3A_4 : vector<1x100xf32> to vector<1000x100xf32>
    %add3A_112 = arith.addf %dot_general3A_110, %add3A_111 : vector<1000x100xf32>
    %max3A_113 = arith.constant 0.000000e+00 : f32
    %max3A_114 = vector.broadcast %max3A_113 : f32 to vector<1000x100xf32>
    %max3A_115 = arith.maximumf %add3A_112, %max3A_114 : vector<1000x100xf32>
    %dot_general3A_116 = arith.constant dense<0.000000e+00> : vector<1000x16xf32>
    %dot_general3A_117 = tpu.matmul %max3A_115, %get3A_7, %dot_general3A_116 {dimension_numbers = #tpu.dot_dimension_numbers<[1], [0], [0], [1], [0, 0, 1, 1], [], []>, transpose_lhs_hint = false} : vector<1000x100xf32>, vector<100x16xf32>, vector<1000x16xf32> -> vector<1000x16xf32>
    %add3A_118 = vector.broadcast %get3A_10 : vector<1x16xf32> to vector<1000x16xf32>
    %add3A_119 = arith.addf %dot_general3A_117, %add3A_118 : vector<1000x16xf32>
    %concatenate3A = tpu.concatenate %add3A_21, %add3A_35, %add3A_49, %add3A_63, %add3A_77, %add3A_91, %add3A_105, %add3A_119 in 1 : vector<1000x16xf32>, vector<1000x16xf32>, vector<1000x16xf32>, vector<1000x16xf32>, vector<1000x16xf32>, vector<1000x16xf32>, vector<1000x16xf32>, vector<1000x16xf32> -> vector<1000x128xf32>
    %swap3A = arith.constant 0 : index
    %swap3A_120 = arith.constant 0 : index
    %swap3A_121 = vector.load %arg13[%swap3A, %swap3A_120] : memref<1000x128xf32, #tpu.memory_space<vmem>>, vector<1000x128xf32>
    tpu.vector_store %arg13[%swap3A, %swap3A_120], %concatenate3A {strides = array<i32>} : memref<1000x128xf32, #tpu.memory_space<vmem>>, vector<1000x128xf32>,
    return
  }
  func.func @transform_0(%arg0: i32) -> (i32, i32) {
    %add3A = arith.constant 0 : i32
    %add3A_0 = arith.addi %add3A, %arg0 : i32
    %c0_i32 = arith.constant 0 : i32
    %c0_i32_1 = arith.constant 0 : i32
    return %add3A_0, %c0_i32 : i32, i32
  }
  func.func @transform_1(%arg0: i32) -> (i32, i32) {
    %add3A = arith.constant 125 : i32
    %add3A_0 = arith.addi %add3A, %arg0 : i32
    %c0_i32 = arith.constant 0 : i32
    %c0_i32_1 = arith.constant 0 : i32
    return %add3A_0, %c0_i32 : i32, i32
  }
  func.func @transform_2(%arg0: i32) -> (i32, i32) {
    %add3A = arith.constant 250 : i32
    %add3A_0 = arith.addi %add3A, %arg0 : i32
    %c0_i32 = arith.constant 0 : i32
    %c0_i32_1 = arith.constant 0 : i32
    return %add3A_0, %c0_i32 : i32, i32
  }
  func.func @transform_3(%arg0: i32) -> (i32, i32) {
    %add3A = arith.constant 375 : i32
    %add3A_0 = arith.addi %add3A, %arg0 : i32
    %c0_i32 = arith.constant 0 : i32
    %c0_i32_1 = arith.constant 0 : i32
    return %add3A_0, %c0_i32 : i32, i32
  }
  func.func @transform_4(%arg0: i32) -> (i32, i32) {
    %add3A = arith.constant 500 : i32
    %add3A_0 = arith.addi %add3A, %arg0 : i32
    %c0_i32 = arith.constant 0 : i32
    %c0_i32_1 = arith.constant 0 : i32
    return %add3A_0, %c0_i32 : i32, i32
  }
  func.func @transform_5(%arg0: i32) -> (i32, i32) {
    %add3A = arith.constant 625 : i32
    %add3A_0 = arith.addi %add3A, %arg0 : i32
    %c0_i32 = arith.constant 0 : i32
    %c0_i32_1 = arith.constant 0 : i32
    return %add3A_0, %c0_i32 : i32, i32
  }
  func.func @transform_6(%arg0: i32) -> (i32, i32) {
    %add3A = arith.constant 750 : i32
    %add3A_0 = arith.addi %add3A, %arg0 : i32
    %c0_i32 = arith.constant 0 : i32
    %c0_i32_1 = arith.constant 0 : i32
    return %add3A_0, %c0_i32 : i32, i32
  }
  func.func @transform_7(%arg0: i32) -> (i32, i32) {
    %add3A = arith.constant 875 : i32
    %add3A_0 = arith.addi %add3A, %arg0 : i32
    %c0_i32 = arith.constant 0 : i32
    %c0_i32_1 = arith.constant 0 : i32
    return %add3A_0, %c0_i32 : i32, i32
  }
  func.func @transform_8(%arg0: i32) -> (i32, i32) {
    %c0_i32 = arith.constant 0 : i32
    %c0_i32_0 = arith.constant 0 : i32
    %c0_i32_1 = arith.constant 0 : i32
    return %c0_i32, %c0_i32_0 : i32, i32
  }
  func.func @transform_9(%arg0: i32) -> (i32, i32) {
    %c0_i32 = arith.constant 0 : i32
    %c0_i32_0 = arith.constant 0 : i32
    %c0_i32_1 = arith.constant 0 : i32
    return %c0_i32, %c0_i32_0 : i32, i32
  }
  func.func @transform_10(%arg0: i32) -> (i32, i32) {
    %c0_i32 = arith.constant 0 : i32
    %c0_i32_0 = arith.constant 0 : i32
    %c0_i32_1 = arith.constant 0 : i32
    return %c0_i32, %c0_i32_0 : i32, i32
  }
  func.func @transform_11(%arg0: i32) -> (i32, i32) {
    %c0_i32 = arith.constant 0 : i32
    %c0_i32_0 = arith.constant 0 : i32
    %c0_i32_1 = arith.constant 0 : i32
    return %c0_i32, %c0_i32_0 : i32, i32
  }
  func.func @transform_12(%arg0: i32) -> (i32, i32) {
    %c0_i32 = arith.constant 0 : i32
    %c0_i32_0 = arith.constant 0 : i32
    return %arg0, %c0_i32 : i32, i32
  }
}

</mosaic_0001>

<sc_bundles>
// kernel: kernel.5.cloned.1.call-start
scs
__scs_entry_jumppad:
0x0: {  	(pc) =	sbr.rel $0x88, $3  }
0x1: {  	(tag) =	ssettag $0x0;
	lr =	simm.s32 $0x1  }
0x2: {  	[smem:$0x3F9B] =	sst lr;
	_ =	strace $0xD0000000  }
0x3: {  	_ = 	snop  }
0x4: {  	_ = 	snop  }
0x5: {  	_ = 	snop  }
0x6: {  	_ = 	snop  }
0x7: {  	_ = 	snop  }
__scs_overlays_trampoline_lowered:
0x8: {  	[smem:$0x3FAA] =	sst s0  }
0x9: {  	[smem:$0x3FAB] =	sst s1  }
0xa: {  	[smem:$0x3FAC] =	sst s2  }
0xb: {  	[smem:$0x3FAD] =	sst s3  }
0xc: {  	[smem:$0x3FAE] =	sst s4  }
0xd: {  	[smem:$0x3FAF] =	sst s5  }
0xe: {  	[smem:$0x3FB0] =	sst s6  }
0xf: {  	[smem:$0x3FB1] =	sst s7  }
0x10: {  	[smem:$0x3FB2] =	sst s8  }
0x11: {  	[smem:$0x3FB3] =	sst s9;
	s0 =	simm.s32 @!p0 $0x0  }
0x12: {  	s1 =	sld [smem:$0x3F99];
	s0 =	simm.s32 @p0 $0x1  }
0x13: {  	[smem:$0x3FB4] =	sst s0;
	s0 =	simm.s32 @!p1 $0x0  }
0x14: {  	s2 =	sld [smem:$0x3F98];
	s0 =	simm.s32 @p1 $0x1  }
0x15: {  	[smem:$0x3FB5] =	sst s0;
	s0 =	simm.s32 @!p2 $0x0  }
0x16: {  	s3 =	sld [smem:$0x3FDB];
	s0 =	simm.s32 @p2 $0x1  }
0x17: {  	s4 =	simm.s32 $0x1BF5;
	[smem:$0x3FB7] =	sst s0  }
0x18: {  	s0 =	sld [smem:$0x3F9A];
	_ =	swait.ge [sflag:s4], $0x0  }
0x19: {  	s7 =	sld [smem:$0x3F9B]  }
0x1a: {  	s8 =	sadd.s32 $0xFFFFE003, lr  }
0x1b: {  	s9 =	sadd.s32 $0xFFFFFEF7, lr;
	s5 =	simm.s32 $0xFFFFFFFF;
	p2 =	slt.u32 s8, $0xFFFFF086  }
0x1c: {  	p1 =	slt.u32 s9, $0xF7A;
	s5 =	simm.s32 @!p2 $0x0  }
0x1d: {  	s5 =	simm.s32 @p1 $0x1;
	p0 =	seq.s32 s7, s2  }
0x1e: {  	s7 =	smul.u32 @!p0 $0xF7A, s2;
	p2 =	seq.s32 @!p0 s5, $0x0  }
0x1f: {  	s9 =	smul.u32 $0xF7A, s1;
	s8 =	simm.s32 @!p0 $0x1BF5;
	p2 =	por !p2, p0  }
0x20: {  	[sflag:s8] =	ssyncset.s32 @!p0 $0xFFFFF086;
	s6 =	sadd.s32 @!p0 s3, s7;
	s7 =	simm.s32 @!p0 $0x108  }
0x21: {  	s3 =	sadd.s32 s3, s9;
	s6 =	sadd.s32 @!p0 $0x88, s6;
	s7 =	simm.s32 @p2 $0x1082  }
0x22: {  	[simem:s7], [sflag:s8] =	dma.local @!p0 [hbm:s6], $0xF7A  }
0x23: {  	s9 =	sor.u32 $0xD0000000, s2;
	s6 =	simm.s32 $0x108;
	_ =	swait.ge @!p0 [sflag:s8], $0x0  }
0x24: {  	s3 =	sadd.s32 $0x88, s3;
	s6 =	simm.s32 @!p1 $0x1082;
	[sflag:s4] =	ssyncset.s32 $0xFFFFF086  }
0x25: {  	[simem:s6], [sflag:s4] =	dma.local [hbm:s3], $0xF7A  }
0x26: {  	[smem:$0x3F9B] =	sst s1;
	(tag) =	ssettag s2;
	_ =	strace s9  }
0x27: {  	s1 =	sld [smem:$0x3FAB]  }
0x28: {  	s2 =	sld [smem:$0x3FAC]  }
0x29: {  	s4 =	sld [smem:$0x3FAE]  }
0x2a: {  	p0 =	seq.s32 s5, $0x0;
	s5 =	sld [smem:$0x3FAF]  }
0x2b: {  	s6 =	sld [smem:$0x3FB0]  }
0x2c: {  	s7 =	sld [smem:$0x3FB1]  }
0x2d: {  	s3 =	simm.s32 $0x108;
	s8 =	sld [smem:$0x3FB2]  }
0x2e: {  	s3 =	simm.s32 @!p0 $0x1082;
	s9 =	sld [smem:$0x3FB3]  }
0x2f: {  	lr =	sadd.s32 s0, s3;
	s0 =	sld [smem:$0x3FAA]  }
0x30: {  	s3 =	sld [smem:$0x3FAD]  }
0x31: {  	[smem:$0x3FB6] =	sst s10  }
0x32: {  	s10 =	sld [smem:$0x3FB4];
	_ =	sdelay $0x3  }
0x33: {  	p0 =	seq.s32 s10, $0x1;
	s10 =	sld [smem:$0x3FB6];
	_ =	sdelay $0x3  }
0x34: {  	[smem:$0x3FB6] =	sst s10  }
0x35: {  	s10 =	sld [smem:$0x3FB5];
	_ =	sdelay $0x3  }
0x36: {  	p1 =	seq.s32 s10, $0x1;
	s10 =	sld [smem:$0x3FB6];
	_ =	sdelay $0x3  }
0x37: {  	[smem:$0x3FB6] =	sst s10  }
0x38: {  	s10 =	sld [smem:$0x3FB7]  }
0x39: {  	_ = 	snop;
	(pc) =	sbr.ind lr, $3  }
0x3a: {  	_ = 	snop  }
0x3b: {  	_ = 	snop  }
0x3c: {  	p2 =	seq.s32 s10, $0x1;
	s10 =	sld [smem:$0x3FB6]  }
0x3d: {  	_ =	shalt  }
0x3e: {  	_ =	shalt  }
0x3f: {  	_ =	shalt  }
0x40: {  	_ =	shalt  }
0x41: {  	_ =	shalt  }
0x42: {  	_ =	shalt  }
0x43: {  	_ =	shalt  }
0x44: {  	_ =	shalt  }
0x45: {  	_ =	shalt  }
0x46: {  	_ =	shalt  }
0x47: {  	_ =	shalt  }
0x48: {  	_ =	shalt  }
0x49: {  	_ =	shalt  }
0x4a: {  	_ =	shalt  }
0x4b: {  	_ =	shalt  }
0x4c: {  	_ =	shalt  }
0x4d: {  	_ =	shalt  }
0x4e: {  	_ =	shalt  }
0x4f: {  	_ =	shalt  }
0x50: {  	_ =	shalt  }
0x51: {  	_ =	shalt  }
0x52: {  	_ =	shalt  }
0x53: {  	_ =	shalt  }
0x54: {  	_ =	shalt  }
0x55: {  	_ =	shalt  }
0x56: {  	_ =	shalt  }
0x57: {  	_ =	shalt  }
0x58: {  	_ =	shalt  }
0x59: {  	_ =	shalt  }
0x5a: {  	_ =	shalt  }
0x5b: {  	_ =	shalt  }
0x5c: {  	_ =	shalt  }
0x5d: {  	_ =	shalt  }
0x5e: {  	_ =	shalt  }
0x5f: {  	_ =	shalt  }
0x60: {  	_ =	shalt  }
0x61: {  	_ =	shalt  }
0x62: {  	_ =	shalt  }
0x63: {  	_ =	shalt  }
0x64: {  	_ =	shalt  }
0x65: {  	_ =	shalt  }
0x66: {  	_ =	shalt  }
0x67: {  	_ =	shalt  }
0x68: {  	_ =	shalt  }
0x69: {  	_ =	shalt  }
0x6a: {  	_ =	shalt  }
0x6b: {  	_ =	shalt  }
0x6c: {  	_ =	shalt  }
0x6d: {  	_ =	shalt  }
0x6e: {  	_ =	shalt  }
0x6f: {  	_ =	shalt  }
0x70: {  	_ =	shalt  }
0x71: {  	_ =	shalt  }
0x72: {  	_ =	shalt  }
0x73: {  	_ =	shalt  }
0x74: {  	_ =	shalt  }
0x75: {  	_ =	shalt  }
0x76: {  	_ =	shalt  }
0x77: {  	_ =	shalt  }
0x78: {  	_ =	shalt  }
0x79: {  	_ =	shalt  }
0x7a: {  	_ =	shalt  }
0x7b: {  	_ =	shalt  }
0x7c: {  	_ =	shalt  }
0x7d: {  	_ =	shalt  }
0x7e: {  	_ =	shalt  }
0x7f: {  	_ =	shalt  }
0x80: {  	_ =	shalt  }
0x81: {  	_ =	shalt  }
0x82: {  	_ =	shalt  }
0x83: {  	_ =	shalt  }
0x84: {  	_ =	shalt  }
0x85: {  	_ =	shalt  }
0x86: {  	_ =	shalt  }
0x87: {  	_ =	shalt  }
.Lfunc_end0:
.L_simem_size_0:
called_computation_lowered:
.L_overlay_start_0:
0x88: {  	s2 =	sld [smem:$0x3FD9]  }
0x89: {  	s3 =	sld [smem:$0x3FFE];
	_ =	sdelay $0x1  }
0x8a: {  	s1 =	srdreg.scid  }
0x8b: {  	s0 =	sand.u32 $0x1, s1  }
0x8c: {  	s17 =	sshll.u32 s0, $0xA;
	s2 =	sadd.s32 s3, s2  }
0x8d: {  	s2 =	sadd.s32 s2, s17  }
0x8e: {  	[smem:$0x3FC2] =	sst s2  }
0x8f: {  	_ = 	snop  }
0x90: {  	s2 =	sld [smem:$0x3FD0];
	(tm) =	ssettm $0x1  }
0x91: {  	s18 =	sld [smem:$0x3FFB];
	_ =	sdelay $0x3  }
0x92: {  	_ =	strace s18  }
0x93: {  	s3 =	sld [smem:$0x3FFC];
	_ =	sdelay $0x3  }
0x94: {  	_ =	strace s3  }
0x95: {  	s3 =	sld [smem:$0x3FFD];
	_ =	sdelay $0x3  }
0x96: {  	_ =	strace s3  }
0x97: {  	_ =	strace $0x8FFFFFFF  }
0x98: {  	s19 =	sld [smem:$0x3FDB];
	_ =	sdelay $0x1  }
0x99: {  	s4 =	simm.s32 $_scs_section_size  }
0x9a: {  	s5 =	simm.s32 $_size__tile_overlayer_lowered;
	s6 =	simm.s32 $_tile_overlayer_lowered  }
0x9b: {  	s22 =	simm.s32 $0x1BFF;
	s21 =	sshll.u32 s6, $0x1;
	s3 =	sadd.s32 s4, s19  }
0x9c: {  	s7 =	simm.s32 $0x0;
	s20 =	sshll.u32 s5, $0x1;
	s5 =	sadd.s32 s21, s3  }
0x9d: {  	[timem:s7], [sflag:s22] =	dma.local [hbm:s5], s20  }
0x9e: {  	_ =	swait.ge [sflag:s22], s20  }
0x9f: {  	s4 =	ssub.s32 $0x0, s20;
	[sflag:s22] =	ssyncset.done $0x0  }
0xa0: {  	[sflag:s22] =	ssyncadd.s32 s4;
	_ =	sdelay $0x1  }
0xa1: {  	s23 =	simm.s32 $0x1B8B  }
0xa2: {  	_ =	swait.ge [sflag:s23], $0x1  }
0xa3: {  	[sflag:s23] =	ssyncset.done $0x0  }
0xa4: {  	s25 =	simm.s32 $0x1B8E;
	s24 =	sld [smem:$0x3FFE];
	[sflag:s23] =	ssyncadd.s32 $0xFFFFFFFF  }
0xa5: {  	s26 =	simm.s32 $execute0_lowered;
	[smem:$0x3FD2] =	sst s25  }
0xa6: {  	s5 =	sshll.u32 s26, $0x1;
	_ =	strace $0x80000046;
	[dreg:$0x1] =	wrdreg $0xFFFFFFFF  }
0xa7: {  	s28 =	simm.s32 $_size_execute0_lowered;
	s3 =	sadd.s32 s3, s5;
	[dreg:$0x0] =	wrdreg $0x0  }
0xa8: {  	s5 =	sshll.u32 s28, $0x1;
	[dreg:$0x2] =	wrdreg s3  }
0xa9: {  	[dreg:$0x3] =	wrdreg s5  }
0xaa: {  	[dreg:$0x4] =	wrdreg $0xC0  }
0xab: {  	_ =	task [dreg:s7], $0x5FFFF  }
0xac: {  	[dreg:$0x1] =	wrdreg $0xFFFFFFFF  }
0xad: {  	[dreg:$0x0] =	wrdreg $0x60  }
0xae: {  	[dreg:$0x2] =	wrdreg s24  }
0xaf: {  	[dreg:$0x3] =	wrdreg s2  }
0xb0: {  	[dreg:$0x4] =	wrdreg $0x9  }
0xb1: {  	_ =	task.clear_ibuf [dreg:s7], $0x5FFFF;
	_ =	strace $0x90000046  }
0xb2: {  	s29 =	simm.s32 $0x9;
	_ =	strace $0x80000048  }
0xb3: {  	_ =	swait.ge [sflag:s29], $0x1  }
0xb4: {  	[sflag:s29] =	ssyncadd.s32 $0xFFFFFFFF  }
0xb5: {  	_ =	strace $0x90000048  }
0xb6: {  	_ =	sfence  }
0xb7: {  	s30 =	sld [smem:$0x0];
	_ =	sdelay $0x2  }
0xb8: {  	s31 =	sshll.u32 s1, $0xD;
	s1 =	sshrl.u32 s1, $0x2  }
0xb9: {  	s3 =	sand.u32 $0x4000, s31;
	s1 =	sadd.s32 s1, s30  }
0xba: {  	s0 =	sor.u32 s3, s0;
	s1 =	sshll.u32 s1, $0x11  }
0xbb: {  	s0 =	sor.u32 s1, s0  }
0xbc: {  	s0 =	sadd.s32 $0x8F2B, s0  }
0xbd: {  	[sflag:s0] =	ssyncadd.remote.s32 $0x1  }
0xbe: {  	_ =	sfence.sel $0xFFFF  }
0xbf: {  	[dreg:$0x0] =	wrdreg $0xFFFFFFFF;
	(pc) =	sbr.abs _section_cstart, $3  }
0xc0: {  	[dreg:$0x1] =	wrdreg $0xFFFFFFFF  }
0xc1: {  	_ =	task.clear_ibuf [dreg:s7], $0x2FFFF;
	_ =	strace $0x9FFFFFFF  }
0xc2: {  	(tm) =	ssettm $0x7FFFFFFF  }
0xc3: {  	_ =	shalt  }
tec
execute0_lowered:
.L_overlay_start_1:
0x0: {  	(tag) =	ssettag $0x1  }
0x1: {  	s0 =	srdreg.scid;
	s20 =	stileid.u32  }
0x2: {  	s0 =	sand.u32 $0x1, s0;
	s2 =	sshll.u32 s20, $0x1  }
0x3: {  	s4 =	sor.u32 s0, s2  }
0x4: {  	s1 =	rddreg [dreg:$0x0];
	s5 =	smul.u32 $0xC80, s4  }
0x5: {  	s3 =	rddreg [dreg:$0x1];
	s2 =	simm.s32 $0x0;
	s6 =	smul.u32 $0x64000, s4  }
0x6: {  	s7 =	sadd.s32 $0x1E8C00, s1;
	[smem:$0x7FF] =	sst s2;
	s4 =	smul.u32 $0xC800, s4  }
0x7: {  	_ =	strace $0x80000047;
	s3 =	sadd.s32 s3, s5;
	s16 =	sshrl.u32 s6, $0x3  }
0x8: {  	s17 =	sadd.s32 s7, s4;
	[dreg:$0x3] =	wrdreg s3;
	s18 =	sadd.s32 s7, s16  }
0x9: {  	[dreg:$0x4] =	wrdreg s17;
	s19 =	sadd.s32 $0xA00, s18  }
0xa: {  	s21 =	sadd.s32 $0x1400, s18;
	[dreg:$0x5] =	wrdreg s19  }
0xb: {  	s22 =	sadd.s32 $0x1E00, s18;
	[dreg:$0x6] =	wrdreg s21  }
0xc: {  	s23 =	sadd.s32 $0x2800, s18;
	[dreg:$0x7] =	wrdreg s22  }
0xd: {  	s24 =	sadd.s32 $0x3200, s18;
	[dreg:$0x8] =	wrdreg s23  }
0xe: {  	s25 =	sadd.s32 $0x3C00, s18;
	[dreg:$0x9] =	wrdreg s24  }
0xf: {  	s26 =	sadd.s32 $0x4600, s18;
	[dreg:$0xa] =	wrdreg s25  }
0x10: {  	s5 =	sadd.s32 $0x5000, s18;
	[dreg:$0xb] =	wrdreg s26  }
0x11: {  	s31 =	simm.s32 $0xB;
	s6 =	sadd.s32 $0x5A00, s18;
	[dreg:$0xc] =	wrdreg s5  }
0x12: {  	s30 =	simm.s32 $0x3700;
	s7 =	sadd.s32 $0x6400, s18;
	[dreg:$0xd] =	wrdreg s6  }
0x13: {  	s29 =	simm.s32 $0x3C00;
	s8 =	sadd.s32 $0x6E00, s18;
	[dreg:$0xe] =	wrdreg s7  }
0x14: {  	s28 =	simm.s32 $0x4100;
	s9 =	sadd.s32 $0x7800, s18;
	[dreg:$0xf] =	wrdreg s8  }
0x15: {  	p0 =	por $0x0, $0x0;
	s10 =	sadd.s32 $0x8200, s18;
	[dreg:$0x10] =	wrdreg s9  }
0x16: {  	s0 =	ssub.s32 $0x2, s0;
	s11 =	sadd.s32 $0x8C00, s18;
	[dreg:$0x11] =	wrdreg s10  }
0x17: {  	s4 =	simm.s32 $0x6;
	s12 =	sadd.s32 $0x9600, s18;
	[dreg:$0x12] =	wrdreg s11  }
0x18: {  	s16 =	sshrl.u32 s0, $0x1;
	s13 =	sadd.s32 $0xA000, s18;
	[dreg:$0x13] =	wrdreg s12  }
0x19: {  	s3 =	simm.s32 $0x1A400;
	s14 =	sadd.s32 $0xAA00, s18;
	[dreg:$0x14] =	wrdreg s13  }
0x1a: {  	s15 =	sadd.s32 $0xB400, s18;
	s17 =	sadd.s32 $0xBE00, s18;
	[dreg:$0x15] =	wrdreg s14  }
0x1b: {  	s0 =	ssub.s32 s0, s16;
	s18 =	simm.s32 $0xA00;
	[dreg:$0x16] =	wrdreg s15  }
0x1c: {  	s16 =	simm.s32 $0x3;
	s12 =	sadd.s32 $0x600, s1;
	[dreg:$0x17] =	wrdreg s17  }
0x1d: {  	s0 =	smax.u32 s0, $0x1;
	s14 =	simm.s32 $0x500;
	s13 =	simm.s32 $0x6400  }
0x1e: {  	s11 =	simm.s32 $0xB400;
	[dreg:$0x18] =	wrdreg s18;
	s10 =	simm.s32 $0x10400  }
0x1f: {  	s19 =	simm.s32 $0xF00;
	s6 =	simm.s32 $0x15400;
	s21 =	simm.s32 $0x1400  }
0x20: {  	s22 =	simm.s32 $0x1900;
	s18 =	simm.s32 $0x2;
	s5 =	simm.s32 $0x7  }
0x21: {  	s23 =	simm.s32 $0x1E00;
	s24 =	simm.s32 $0x2300;
	[dreg:$0x19] =	wrdreg s19  }
0x22: {  	s7 =	simm.s32 $0x8;
	s25 =	simm.s32 $0x2800;
	[dreg:$0x1a] =	wrdreg s21  }
0x23: {  	s17 =	simm.s32 $0x4;
	s8 =	simm.s32 $0x9;
	[dreg:$0x1b] =	wrdreg s22  }
0x24: {  	s15 =	simm.s32 $0x5;
	[dreg:$0x1c] =	wrdreg s23;
	p1 =	sne.s32 s0, $0x1  }
.Ltmp0:
0x25: {  	s9 =	simm.s32 $0xA;
	[dreg:$0x1d] =	wrdreg s24;
	(pc) =	sbr.rel @!p1 .LBB2_1-.Ltmp0, $4  }
0x26: {  	s26 =	simm.s32 $0x2D00;
	s19 =	simm.s32 $0x1;
	[dreg:$0x1e] =	wrdreg s25  }
0x27: {  	[dreg:$0x1f] =	wrdreg s26;
	s1 =	sadd.s32 $0xFFFFFFFF, s0;
	s26 =	simm.s32 $0x4600  }
0x28: {  	s25 =	simm.s32 $0x4B00;
	s24 =	simm.s32 $0x5000;
	s23 =	simm.s32 $0x5500  }
0x29: {  	s22 =	simm.s32 $0x5A00;
	s21 =	simm.s32 $0x5F00;
	s0 =	rddreg [dreg:$0x3]  }
0x2a: {  	[tilespmem:s2], [sflag:$0xB] =	stream.linear.gather [hbm4b:s0+s2], $0x6400, $0x38;
	[tilespmem:$0x1F400] =	vst v63  }
0x2b: {  	_ =	swait.ge [sflag:s31], $0x6400  }
0x2c: {  	[sflag:s31] =	ssyncset.done $0x0  }
0x2d: {  	[sflag:s31] =	ssyncadd.s32 $0xFFFF9C00  }
0x2e: {  	[tilespmem:s13], [sflag:$0x1] =	stream.indirect.gather [hbm4b:s12+s14], $0x10, s2, s14, $0xb8;
	[tilespmem:$0x1F400] =	vst v63  }
0x2f: {  	_ = 	snop  }
0x30: {  	[tilespmem:s11], [sflag:$0x2] =	stream.indirect.gather [hbm4b:s12+s14], $0x10, s14, s14, $0xb8;
	[tilespmem:$0x1F400] =	vst v63  }
0x31: {  	s0 =	rddreg [dreg:$0x18]  }
0x32: {  	[tilespmem:s10], [sflag:$0x3] =	stream.indirect.gather [hbm4b:s12+s14], $0x10, s0, s14, $0xb8;
	[tilespmem:$0x1F400] =	vst v63  }
0x33: {  	s20 =	smov.u32 s1;
	s1 =	rddreg [dreg:$0x19]  }
0x34: {  	[tilespmem:s6], [sflag:$0x4] =	stream.indirect.gather [hbm4b:s12+s14], $0x10, s1, s14, $0xb8;
	[tilespmem:$0x1F400] =	vst v63  }
0x35: {  	s0 =	rddreg [dreg:$0x1a]  }
0x36: {  	[tilespmem:s3], [sflag:$0x5] =	stream.indirect.gather [hbm4b:s12+s14], $0x10, s0, s14, $0xb8;
	[tilespmem:$0x1F400] =	vst v63  }
0x37: {  	_ =	swait.ge [sflag:s19], $0x5000  }
0x38: {  	[sflag:s19] =	ssyncset.done $0x0  }
0x39: {  	s1 =	rddreg [dreg:$0x4];
	[sflag:s19] =	ssyncadd.s32 $0xFFFFB000  }
0x3a: {  	[hbm4b:s1+s2] =	stream.linear.scatter [tilespmem:s13], [sflag:$0x6], $0x5000, $0x38;
	[tilespmem:$0x1F400] =	vst v63  }
0x3b: {  	_ =	swait.ge [sflag:s4], $0x5000  }
0x3c: {  	[sflag:s4] =	ssyncset.done $0x0  }
0x3d: {  	s1 =	rddreg [dreg:$0x1b];
	[sflag:s4] =	ssyncadd.s32 $0xFFFFB000  }
0x3e: {  	[tilespmem:s13], [sflag:$0x1] =	stream.indirect.gather [hbm4b:s12+s14], $0x10, s1, s14, $0xb8;
	[tilespmem:$0x1F400] =	vst v63  }
0x3f: {  	_ =	swait.ge [sflag:s18], $0x5000  }
0x40: {  	[sflag:s18] =	ssyncset.done $0x0  }
0x41: {  	s1 =	rddreg [dreg:$0x5];
	[sflag:s18] =	ssyncadd.s32 $0xFFFFB000  }
0x42: {  	[hbm4b:s1+s2] =	stream.linear.scatter [tilespmem:s11], [sflag:$0x7], $0x5000, $0x38;
	[tilespmem:$0x1F400] =	vst v63  }
0x43: {  	_ =	swait.ge [sflag:s5], $0x5000  }
0x44: {  	[sflag:s5] =	ssyncset.done $0x0  }
0x45: {  	s1 =	rddreg [dreg:$0x1c];
	[sflag:s5] =	ssyncadd.s32 $0xFFFFB000  }
0x46: {  	[tilespmem:s11], [sflag:$0x2] =	stream.indirect.gather [hbm4b:s12+s14], $0x10, s1, s14, $0xb8;
	[tilespmem:$0x1F400] =	vst v63  }
0x47: {  	_ =	swait.ge [sflag:s16], $0x5000  }
0x48: {  	[sflag:s16] =	ssyncset.done $0x0  }
0x49: {  	s1 =	rddreg [dreg:$0x6];
	[sflag:s16] =	ssyncadd.s32 $0xFFFFB000  }
0x4a: {  	[hbm4b:s1+s2] =	stream.linear.scatter [tilespmem:s10], [sflag:$0x8], $0x5000, $0x38;
	[tilespmem:$0x1F400] =	vst v63  }
0x4b: {  	_ =	swait.ge [sflag:s7], $0x5000  }
0x4c: {  	[sflag:s7] =	ssyncset.done $0x0  }
0x4d: {  	s1 =	rddreg [dreg:$0x1d];
	[sflag:s7] =	ssyncadd.s32 $0xFFFFB000  }
0x4e: {  	[tilespmem:s10], [sflag:$0x3] =	stream.indirect.gather [hbm4b:s12+s14], $0x10, s1, s14, $0xb8;
	[tilespmem:$0x1F400] =	vst v63  }
0x4f: {  	_ =	swait.ge [sflag:s17], $0x5000  }
0x50: {  	[sflag:s17] =	ssyncset.done $0x0  }
0x51: {  	s1 =	rddreg [dreg:$0x7];
	[sflag:s17] =	ssyncadd.s32 $0xFFFFB000  }
0x52: {  	[hbm4b:s1+s2] =	stream.linear.scatter [tilespmem:s6], [sflag:$0x9], $0x5000, $0x38;
	[tilespmem:$0x1F400] =	vst v63  }
0x53: {  	_ =	swait.ge [sflag:s8], $0x5000  }
0x54: {  	[sflag:s8] =	ssyncset.done $0x0  }
0x55: {  	s1 =	rddreg [dreg:$0x1e];
	[sflag:s8] =	ssyncadd.s32 $0xFFFFB000  }
0x56: {  	[tilespmem:s6], [sflag:$0x4] =	stream.indirect.gather [hbm4b:s12+s14], $0x10, s1, s14, $0xb8;
	[tilespmem:$0x1F400] =	vst v63  }
0x57: {  	_ =	swait.ge [sflag:s15], $0x5000  }
0x58: {  	[sflag:s15] =	ssyncset.done $0x0  }
0x59: {  	s1 =	rddreg [dreg:$0x8];
	[sflag:s15] =	ssyncadd.s32 $0xFFFFB000  }
0x5a: {  	[hbm4b:s1+s2] =	stream.linear.scatter [tilespmem:s3], [sflag:$0xA], $0x5000, $0x38;
	[tilespmem:$0x1F400] =	vst v63  }
0x5b: {  	_ =	swait.ge [sflag:s9], $0x5000  }
0x5c: {  	[sflag:s9] =	ssyncset.done $0x0  }
0x5d: {  	s1 =	rddreg [dreg:$0x1f];
	[sflag:s9] =	ssyncadd.s32 $0xFFFFB000  }
0x5e: {  	[tilespmem:s3], [sflag:$0x5] =	stream.indirect.gather [hbm4b:s12+s14], $0x10, s1, s14, $0xb8;
	[tilespmem:$0x1F400] =	vst v63  }
0x5f: {  	_ =	swait.ge [sflag:s19], $0x5000  }
0x60: {  	[sflag:s19] =	ssyncset.done $0x0  }
0x61: {  	s1 =	rddreg [dreg:$0x9];
	[sflag:s19] =	ssyncadd.s32 $0xFFFFB000  }
0x62: {  	[hbm4b:s1+s2] =	stream.linear.scatter [tilespmem:s13], [sflag:$0x6], $0x5000, $0x38;
	[tilespmem:$0x1F400] =	vst v63  }
0x63: {  	_ =	swait.ge [sflag:s4], $0x5000  }
0x64: {  	[sflag:s4] =	ssyncset.done $0x0  }
0x65: {  	s1 =	simm.s32 $0x3200;
	[sflag:s4] =	ssyncadd.s32 $0xFFFFB000  }
0x66: {  	[tilespmem:s13], [sflag:$0x1] =	stream.indirect.gather [hbm4b:s12+s14], $0x10, s1, s14, $0xb8;
	[tilespmem:$0x1F400] =	vst v63  }
0x67: {  	_ =	swait.ge [sflag:s18], $0x5000  }
0x68: {  	[sflag:s18] =	ssyncset.done $0x0  }
0x69: {  	s1 =	rddreg [dreg:$0xa];
	[sflag:s18] =	ssyncadd.s32 $0xFFFFB000  }
0x6a: {  	[hbm4b:s1+s2] =	stream.linear.scatter [tilespmem:s11], [sflag:$0x7], $0x5000, $0x38;
	[tilespmem:$0x1F400] =	vst v63  }
0x6b: {  	_ =	swait.ge [sflag:s5], $0x5000  }
0x6c: {  	[sflag:s5] =	ssyncset.done $0x0  }
0x6d: {  	[sflag:s5] =	ssyncadd.s32 $0xFFFFB000  }
0x6e: {  	[tilespmem:s11], [sflag:$0x2] =	stream.indirect.gather [hbm4b:s12+s14], $0x10, s30, s14, $0xb8;
	[tilespmem:$0x1F400] =	vst v63  }
0x6f: {  	_ =	swait.ge [sflag:s16], $0x5000  }
0x70: {  	[sflag:s16] =	ssyncset.done $0x0  }
0x71: {  	s1 =	rddreg [dreg:$0xb];
	[sflag:s16] =	ssyncadd.s32 $0xFFFFB000  }
0x72: {  	[hbm4b:s1+s2] =	stream.linear.scatter [tilespmem:s10], [sflag:$0x8], $0x5000, $0x38;
	[tilespmem:$0x1F400] =	vst v63  }
0x73: {  	_ =	swait.ge [sflag:s7], $0x5000  }
0x74: {  	[sflag:s7] =	ssyncset.done $0x0  }
0x75: {  	[sflag:s7] =	ssyncadd.s32 $0xFFFFB000  }
0x76: {  	[tilespmem:s10], [sflag:$0x3] =	stream.indirect.gather [hbm4b:s12+s14], $0x10, s29, s14, $0xb8;
	[tilespmem:$0x1F400] =	vst v63  }
0x77: {  	_ =	swait.ge [sflag:s17], $0x5000  }
0x78: {  	[sflag:s17] =	ssyncset.done $0x0  }
0x79: {  	s1 =	rddreg [dreg:$0xc];
	[sflag:s17] =	ssyncadd.s32 $0xFFFFB000  }
0x7a: {  	[hbm4b:s1+s2] =	stream.linear.scatter [tilespmem:s6], [sflag:$0x9], $0x5000, $0x38;
	[tilespmem:$0x1F400] =	vst v63  }
0x7b: {  	_ =	swait.ge [sflag:s8], $0x5000  }
0x7c: {  	[sflag:s8] =	ssyncset.done $0x0  }
0x7d: {  	[sflag:s8] =	ssyncadd.s32 $0xFFFFB000  }
0x7e: {  	[tilespmem:s6], [sflag:$0x4] =	stream.indirect.gather [hbm4b:s12+s14], $0x10, s28, s14, $0xb8;
	[tilespmem:$0x1F400] =	vst v63  }
0x7f: {  	_ =	swait.ge [sflag:s15], $0x5000  }
0x80: {  	[sflag:s15] =	ssyncset.done $0x0  }
0x81: {  	s1 =	rddreg [dreg:$0xd];
	[sflag:s15] =	ssyncadd.s32 $0xFFFFB000  }
0x82: {  	[hbm4b:s1+s2] =	stream.linear.scatter [tilespmem:s3], [sflag:$0xA], $0x5000, $0x38;
	[tilespmem:$0x1F400] =	vst v63  }
0x83: {  	_ =	swait.ge [sflag:s9], $0x5000  }
0x84: {  	[sflag:s9] =	ssyncset.done $0x0  }
0x85: {  	[sflag:s9] =	ssyncadd.s32 $0xFFFFB000  }
0x86: {  	[tilespmem:s3], [sflag:$0x5] =	stream.indirect.gather [hbm4b:s12+s14], $0x10, s26, s14, $0xb8;
	[tilespmem:$0x1F400] =	vst v63  }
0x87: {  	_ =	swait.ge [sflag:s19], $0x5000  }
0x88: {  	[sflag:s19] =	ssyncset.done $0x0  }
0x89: {  	s1 =	rddreg [dreg:$0xe];
	[sflag:s19] =	ssyncadd.s32 $0xFFFFB000  }
0x8a: {  	[hbm4b:s1+s2] =	stream.linear.scatter [tilespmem:s13], [sflag:$0x6], $0x5000, $0x38;
	[tilespmem:$0x1F400] =	vst v63  }
0x8b: {  	_ =	swait.ge [sflag:s4], $0x5000  }
0x8c: {  	[sflag:s4] =	ssyncset.done $0x0  }
0x8d: {  	[sflag:s4] =	ssyncadd.s32 $0xFFFFB000  }
0x8e: {  	[tilespmem:s13], [sflag:$0x1] =	stream.indirect.gather [hbm4b:s12+s14], $0x10, s25, s14, $0xb8;
	[tilespmem:$0x1F400] =	vst v63  }
0x8f: {  	_ =	swait.ge [sflag:s18], $0x5000  }
0x90: {  	[sflag:s18] =	ssyncset.done $0x0  }
0x91: {  	s1 =	rddreg [dreg:$0xf];
	[sflag:s18] =	ssyncadd.s32 $0xFFFFB000  }
0x92: {  	[hbm4b:s1+s2] =	stream.linear.scatter [tilespmem:s11], [sflag:$0x7], $0x5000, $0x38;
	[tilespmem:$0x1F400] =	vst v63  }
0x93: {  	_ =	swait.ge [sflag:s5], $0x5000  }
0x94: {  	[sflag:s5] =	ssyncset.done $0x0  }
0x95: {  	[sflag:s5] =	ssyncadd.s32 $0xFFFFB000  }
0x96: {  	[tilespmem:s11], [sflag:$0x2] =	stream.indirect.gather [hbm4b:s12+s14], $0x10, s24, s14, $0xb8;
	[tilespmem:$0x1F400] =	vst v63  }
0x97: {  	_ =	swait.ge [sflag:s16], $0x5000  }
0x98: {  	[sflag:s16] =	ssyncset.done $0x0  }
0x99: {  	s1 =	rddreg [dreg:$0x10];
	[sflag:s16] =	ssyncadd.s32 $0xFFFFB000  }
0x9a: {  	[hbm4b:s1+s2] =	stream.linear.scatter [tilespmem:s10], [sflag:$0x8], $0x5000, $0x38;
	[tilespmem:$0x1F400] =	vst v63  }
0x9b: {  	_ =	swait.ge [sflag:s7], $0x5000  }
0x9c: {  	[sflag:s7] =	ssyncset.done $0x0  }
0x9d: {  	[sflag:s7] =	ssyncadd.s32 $0xFFFFB000  }
0x9e: {  	[tilespmem:s10], [sflag:$0x3] =	stream.indirect.gather [hbm4b:s12+s14], $0x10, s23, s14, $0xb8;
	[tilespmem:$0x1F400] =	vst v63  }
0x9f: {  	_ =	swait.ge [sflag:s17], $0x5000  }
0xa0: {  	[sflag:s17] =	ssyncset.done $0x0  }
0xa1: {  	s1 =	rddreg [dreg:$0x11];
	[sflag:s17] =	ssyncadd.s32 $0xFFFFB000  }
0xa2: {  	[hbm4b:s1+s2] =	stream.linear.scatter [tilespmem:s6], [sflag:$0x9], $0x5000, $0x38;
	[tilespmem:$0x1F400] =	vst v63  }
0xa3: {  	_ =	swait.ge [sflag:s8], $0x5000  }
0xa4: {  	[sflag:s8] =	ssyncset.done $0x0  }
0xa5: {  	[sflag:s8] =	ssyncadd.s32 $0xFFFFB000  }
0xa6: {  	[tilespmem:s6], [sflag:$0x4] =	stream.indirect.gather [hbm4b:s12+s14], $0x10, s22, s14, $0xb8;
	[tilespmem:$0x1F400] =	vst v63  }
0xa7: {  	_ =	swait.ge [sflag:s15], $0x5000  }
0xa8: {  	[sflag:s15] =	ssyncset.done $0x0  }
0xa9: {  	s1 =	rddreg [dreg:$0x12];
	[sflag:s15] =	ssyncadd.s32 $0xFFFFB000  }
0xaa: {  	[hbm4b:s1+s2] =	stream.linear.scatter [tilespmem:s3], [sflag:$0xA], $0x5000, $0x38;
	[tilespmem:$0x1F400] =	vst v63  }
0xab: {  	_ =	swait.ge [sflag:s9], $0x5000  }
0xac: {  	[sflag:s9] =	ssyncset.done $0x0  }
0xad: {  	[sflag:s9] =	ssyncadd.s32 $0xFFFFB000  }
0xae: {  	[tilespmem:s3], [sflag:$0x5] =	stream.indirect.gather [hbm4b:s12+s14], $0x10, s21, s14, $0xb8;
	[tilespmem:$0x1F400] =	vst v63  }
0xaf: {  	_ =	swait.ge [sflag:s19], $0x5000  }
0xb0: {  	[sflag:s19] =	ssyncset.done $0x0  }
0xb1: {  	s1 =	rddreg [dreg:$0x13];
	[sflag:s19] =	ssyncadd.s32 $0xFFFFB000  }
0xb2: {  	[hbm4b:s1+s2] =	stream.linear.scatter [tilespmem:s13], [sflag:$0x6], $0x5000, $0x38;
	[tilespmem:$0x1F400] =	vst v63  }
0xb3: {  	_ =	swait.ge [sflag:s18], $0x5000  }
0xb4: {  	[sflag:s18] =	ssyncset.done $0x0  }
0xb5: {  	s1 =	rddreg [dreg:$0x14];
	[sflag:s18] =	ssyncadd.s32 $0xFFFFB000  }
0xb6: {  	[hbm4b:s1+s2] =	stream.linear.scatter [tilespmem:s11], [sflag:$0x7], $0x5000, $0x38;
	[tilespmem:$0x1F400] =	vst v63  }
0xb7: {  	_ =	swait.ge [sflag:s16], $0x5000  }
0xb8: {  	[sflag:s16] =	ssyncset.done $0x0  }
0xb9: {  	s1 =	rddreg [dreg:$0x15];
	[sflag:s16] =	ssyncadd.s32 $0xFFFFB000  }
0xba: {  	[hbm4b:s1+s2] =	stream.linear.scatter [tilespmem:s10], [sflag:$0x8], $0x5000, $0x38;
	[tilespmem:$0x1F400] =	vst v63  }
0xbb: {  	_ =	swait.ge [sflag:s17], $0x5000  }
0xbc: {  	[sflag:s17] =	ssyncset.done $0x0  }
0xbd: {  	s1 =	rddreg [dreg:$0x16];
	[sflag:s17] =	ssyncadd.s32 $0xFFFFB000  }
0xbe: {  	[hbm4b:s1+s2] =	stream.linear.scatter [tilespmem:s6], [sflag:$0x9], $0x5000, $0x38;
	[tilespmem:$0x1F400] =	vst v63  }
0xbf: {  	_ =	swait.ge [sflag:s15], $0x5000  }
0xc0: {  	[sflag:s15] =	ssyncset.done $0x0  }
0xc1: {  	s1 =	rddreg [dreg:$0x17];
	[sflag:s15] =	ssyncadd.s32 $0xFFFFB000  }
0xc2: {  	[hbm4b:s1+s2] =	stream.linear.scatter [tilespmem:s3], [sflag:$0xA], $0x5000, $0x38;
	[tilespmem:$0x1F400] =	vst v63  }
0xc3: {  	_ =	swait.ge [sflag:s4], $0x5000  }
0xc4: {  	[sflag:s4] =	ssyncset.done $0x0  }
0xc5: {  	[sflag:s4] =	ssyncadd.s32 $0xFFFFB000  }
0xc6: {  	_ =	swait.ge [sflag:s5], $0x5000  }
0xc7: {  	[sflag:s5] =	ssyncset.done $0x0  }
0xc8: {  	[sflag:s5] =	ssyncadd.s32 $0xFFFFB000  }
0xc9: {  	_ =	swait.ge [sflag:s7], $0x5000  }
0xca: {  	[sflag:s7] =	ssyncset.done $0x0  }
0xcb: {  	p1 =	sne.s32 s20, $0x1;
	[sflag:s7] =	ssyncadd.s32 $0xFFFFB000  }
.Ltmp1:
0xcc: {  	_ =	swait.ge [sflag:s8], $0x5000;
	(pc) =	sbr.rel @!p1 .LBB2_3-.Ltmp1, $4  }
0xcd: {  	[sflag:s8] =	ssyncset.done $0x0  }
0xce: {  	[sflag:s8] =	ssyncadd.s32 $0xFFFFB000  }
0xcf: {  	p0 =	por $0x1, $0x1;
	_ =	swait.ge [sflag:s9], $0x5000  }
0xd0: {  	s1 =	sadd.s32 $0xFFFFFFFF, s20;
	s0 =	rddreg [dreg:$0x3];
	[sflag:s9] =	ssyncset.done $0x0  }
.LBB2_4:
0xd1: {  	[sflag:s9] =	ssyncadd.s32 $0xFFFFB000  }
0xd2: {  	[tilespmem:s2], [sflag:$0xB] =	stream.linear.gather [hbm4b:s0+s2], $0x6400, $0x38;
	[tilespmem:$0x1F400] =	vst v63  }
0xd3: {  	_ =	swait.ge [sflag:s31], $0x6400  }
0xd4: {  	[sflag:s31] =	ssyncset.done $0x0  }
0xd5: {  	[sflag:s31] =	ssyncadd.s32 $0xFFFF9C00  }
0xd6: {  	[tilespmem:s13], [sflag:$0x1] =	stream.indirect.gather [hbm4b:s12+s14], $0x10, s2, s14, $0xb8;
	[tilespmem:$0x1F400] =	vst v63  }
0xd7: {  	_ = 	snop  }
0xd8: {  	[tilespmem:s11], [sflag:$0x2] =	stream.indirect.gather [hbm4b:s12+s14], $0x10, s14, s14, $0xb8;
	[tilespmem:$0x1F400] =	vst v63  }
0xd9: {  	s0 =	rddreg [dreg:$0x18]  }
0xda: {  	[tilespmem:s10], [sflag:$0x3] =	stream.indirect.gather [hbm4b:s12+s14], $0x10, s0, s14, $0xb8;
	[tilespmem:$0x1F400] =	vst v63  }
0xdb: {  	s20 =	rddreg [dreg:$0x19]  }
0xdc: {  	[tilespmem:s6], [sflag:$0x4] =	stream.indirect.gather [hbm4b:s12+s14], $0x10, s20, s14, $0xb8;
	[tilespmem:$0x1F400] =	vst v63  }
0xdd: {  	s0 =	rddreg [dreg:$0x1a]  }
0xde: {  	[tilespmem:s3], [sflag:$0x5] =	stream.indirect.gather [hbm4b:s12+s14], $0x10, s0, s14, $0xb8;
	[tilespmem:$0x1F400] =	vst v63  }
0xdf: {  	_ =	swait.ge [sflag:s19], $0x5000  }
0xe0: {  	[sflag:s19] =	ssyncset.done $0x0  }
0xe1: {  	s20 =	rddreg [dreg:$0x4];
	[sflag:s19] =	ssyncadd.s32 $0xFFFFB000  }
0xe2: {  	[hbm4b:s20+s2] =	stream.linear.scatter [tilespmem:s13], [sflag:$0x6], $0x5000, $0x38;
	[tilespmem:$0x1F400] =	vst v63  }
0xe3: {  	_ =	swait.ge [sflag:s4], $0x5000  }
0xe4: {  	[sflag:s4] =	ssyncset.done $0x0  }
0xe5: {  	s20 =	rddreg [dreg:$0x1b];
	[sflag:s4] =	ssyncadd.s32 $0xFFFFB000  }
0xe6: {  	[tilespmem:s13], [sflag:$0x1] =	stream.indirect.gather [hbm4b:s12+s14], $0x10, s20, s14, $0xb8;
	[tilespmem:$0x1F400] =	vst v63  }
0xe7: {  	_ =	swait.ge [sflag:s18], $0x5000  }
0xe8: {  	[sflag:s18] =	ssyncset.done $0x0  }
0xe9: {  	s20 =	rddreg [dreg:$0x5];
	[sflag:s18] =	ssyncadd.s32 $0xFFFFB000  }
0xea: {  	[hbm4b:s20+s2] =	stream.linear.scatter [tilespmem:s11], [sflag:$0x7], $0x5000, $0x38;
	[tilespmem:$0x1F400] =	vst v63  }
0xeb: {  	_ =	swait.ge [sflag:s5], $0x5000  }
0xec: {  	[sflag:s5] =	ssyncset.done $0x0  }
0xed: {  	s20 =	rddreg [dreg:$0x1c];
	[sflag:s5] =	ssyncadd.s32 $0xFFFFB000  }
0xee: {  	[tilespmem:s11], [sflag:$0x2] =	stream.indirect.gather [hbm4b:s12+s14], $0x10, s20, s14, $0xb8;
	[tilespmem:$0x1F400] =	vst v63  }
0xef: {  	_ =	swait.ge [sflag:s16], $0x5000  }
0xf0: {  	[sflag:s16] =	ssyncset.done $0x0  }
0xf1: {  	s20 =	rddreg [dreg:$0x6];
	[sflag:s16] =	ssyncadd.s32 $0xFFFFB000  }
0xf2: {  	[hbm4b:s20+s2] =	stream.linear.scatter [tilespmem:s10], [sflag:$0x8], $0x5000, $0x38;
	[tilespmem:$0x1F400] =	vst v63  }
0xf3: {  	_ =	swait.ge [sflag:s7], $0x5000  }
0xf4: {  	[sflag:s7] =	ssyncset.done $0x0  }
0xf5: {  	s20 =	rddreg [dreg:$0x1d];
	[sflag:s7] =	ssyncadd.s32 $0xFFFFB000  }
0xf6: {  	[tilespmem:s10], [sflag:$0x3] =	stream.indirect.gather [hbm4b:s12+s14], $0x10, s20, s14, $0xb8;
	[tilespmem:$0x1F400] =	vst v63  }
0xf7: {  	_ =	swait.ge [sflag:s17], $0x5000  }
0xf8: {  	[sflag:s17] =	ssyncset.done $0x0  }
0xf9: {  	s20 =	rddreg [dreg:$0x7];
	[sflag:s17] =	ssyncadd.s32 $0xFFFFB000  }
0xfa: {  	[hbm4b:s20+s2] =	stream.linear.scatter [tilespmem:s6], [sflag:$0x9], $0x5000, $0x38;
	[tilespmem:$0x1F400] =	vst v63  }
0xfb: {  	_ =	swait.ge [sflag:s8], $0x5000  }
0xfc: {  	[sflag:s8] =	ssyncset.done $0x0  }
0xfd: {  	s20 =	rddreg [dreg:$0x1e];
	[sflag:s8] =	ssyncadd.s32 $0xFFFFB000  }
0xfe: {  	[tilespmem:s6], [sflag:$0x4] =	stream.indirect.gather [hbm4b:s12+s14], $0x10, s20, s14, $0xb8;
	[tilespmem:$0x1F400] =	vst v63  }
0xff: {  	_ =	swait.ge [sflag:s15], $0x5000  }
0x100: {  	[sflag:s15] =	ssyncset.done $0x0  }
0x101: {  	s20 =	rddreg [dreg:$0x8];
	[sflag:s15] =	ssyncadd.s32 $0xFFFFB000  }
0x102: {  	[hbm4b:s20+s2] =	stream.linear.scatter [tilespmem:s3], [sflag:$0xA], $0x5000, $0x38;
	[tilespmem:$0x1F400] =	vst v63  }
0x103: {  	_ =	swait.ge [sflag:s9], $0x5000  }
0x104: {  	[sflag:s9] =	ssyncset.done $0x0  }
0x105: {  	s20 =	rddreg [dreg:$0x1f];
	[sflag:s9] =	ssyncadd.s32 $0xFFFFB000  }
0x106: {  	[tilespmem:s3], [sflag:$0x5] =	stream.indirect.gather [hbm4b:s12+s14], $0x10, s20, s14, $0xb8;
	[tilespmem:$0x1F400] =	vst v63  }
0x107: {  	_ =	swait.ge [sflag:s19], $0x5000  }
0x108: {  	[sflag:s19] =	ssyncset.done $0x0  }
0x109: {  	s20 =	rddreg [dreg:$0x9];
	[sflag:s19] =	ssyncadd.s32 $0xFFFFB000  }
0x10a: {  	[hbm4b:s20+s2] =	stream.linear.scatter [tilespmem:s13], [sflag:$0x6], $0x5000, $0x38;
	[tilespmem:$0x1F400] =	vst v63  }
0x10b: {  	_ =	swait.ge [sflag:s4], $0x5000  }
0x10c: {  	[sflag:s4] =	ssyncset.done $0x0  }
0x10d: {  	s20 =	simm.s32 $0x3200;
	[sflag:s4] =	ssyncadd.s32 $0xFFFFB000  }
0x10e: {  	[tilespmem:s13], [sflag:$0x1] =	stream.indirect.gather [hbm4b:s12+s14], $0x10, s20, s14, $0xb8;
	[tilespmem:$0x1F400] =	vst v63  }
0x10f: {  	_ =	swait.ge [sflag:s18], $0x5000  }
0x110: {  	[sflag:s18] =	ssyncset.done $0x0  }
0x111: {  	s20 =	rddreg [dreg:$0xa];
	[sflag:s18] =	ssyncadd.s32 $0xFFFFB000  }
0x112: {  	[hbm4b:s20+s2] =	stream.linear.scatter [tilespmem:s11], [sflag:$0x7], $0x5000, $0x38;
	[tilespmem:$0x1F400] =	vst v63  }
0x113: {  	_ =	swait.ge [sflag:s5], $0x5000  }
0x114: {  	[sflag:s5] =	ssyncset.done $0x0  }
0x115: {  	[sflag:s5] =	ssyncadd.s32 $0xFFFFB000  }
0x116: {  	[tilespmem:s11], [sflag:$0x2] =	stream.indirect.gather [hbm4b:s12+s14], $0x10, s30, s14, $0xb8;
	[tilespmem:$0x1F400] =	vst v63  }
0x117: {  	_ =	swait.ge [sflag:s16], $0x5000  }
0x118: {  	[sflag:s16] =	ssyncset.done $0x0  }
0x119: {  	s20 =	rddreg [dreg:$0xb];
	[sflag:s16] =	ssyncadd.s32 $0xFFFFB000  }
0x11a: {  	[hbm4b:s20+s2] =	stream.linear.scatter [tilespmem:s10], [sflag:$0x8], $0x5000, $0x38;
	[tilespmem:$0x1F400] =	vst v63  }
0x11b: {  	_ =	swait.ge [sflag:s7], $0x5000  }
0x11c: {  	[sflag:s7] =	ssyncset.done $0x0  }
0x11d: {  	[sflag:s7] =	ssyncadd.s32 $0xFFFFB000  }
0x11e: {  	[tilespmem:s10], [sflag:$0x3] =	stream.indirect.gather [hbm4b:s12+s14], $0x10, s29, s14, $0xb8;
	[tilespmem:$0x1F400] =	vst v63  }
0x11f: {  	_ =	swait.ge [sflag:s17], $0x5000  }
0x120: {  	[sflag:s17] =	ssyncset.done $0x0  }
0x121: {  	s20 =	rddreg [dreg:$0xc];
	[sflag:s17] =	ssyncadd.s32 $0xFFFFB000  }
0x122: {  	[hbm4b:s20+s2] =	stream.linear.scatter [tilespmem:s6], [sflag:$0x9], $0x5000, $0x38;
	[tilespmem:$0x1F400] =	vst v63  }
0x123: {  	_ =	swait.ge [sflag:s8], $0x5000  }
0x124: {  	[sflag:s8] =	ssyncset.done $0x0  }
0x125: {  	[sflag:s8] =	ssyncadd.s32 $0xFFFFB000  }
0x126: {  	[tilespmem:s6], [sflag:$0x4] =	stream.indirect.gather [hbm4b:s12+s14], $0x10, s28, s14, $0xb8;
	[tilespmem:$0x1F400] =	vst v63  }
0x127: {  	_ =	swait.ge [sflag:s15], $0x5000  }
0x128: {  	[sflag:s15] =	ssyncset.done $0x0  }
0x129: {  	s20 =	rddreg [dreg:$0xd];
	[sflag:s15] =	ssyncadd.s32 $0xFFFFB000  }
0x12a: {  	[hbm4b:s20+s2] =	stream.linear.scatter [tilespmem:s3], [sflag:$0xA], $0x5000, $0x38;
	[tilespmem:$0x1F400] =	vst v63  }
0x12b: {  	_ =	swait.ge [sflag:s9], $0x5000  }
0x12c: {  	[sflag:s9] =	ssyncset.done $0x0  }
0x12d: {  	[sflag:s9] =	ssyncadd.s32 $0xFFFFB000  }
0x12e: {  	[tilespmem:s3], [sflag:$0x5] =	stream.indirect.gather [hbm4b:s12+s14], $0x10, s26, s14, $0xb8;
	[tilespmem:$0x1F400] =	vst v63  }
0x12f: {  	_ =	swait.ge [sflag:s19], $0x5000  }
0x130: {  	[sflag:s19] =	ssyncset.done $0x0  }
0x131: {  	s20 =	rddreg [dreg:$0xe];
	[sflag:s19] =	ssyncadd.s32 $0xFFFFB000  }
0x132: {  	[hbm4b:s20+s2] =	stream.linear.scatter [tilespmem:s13], [sflag:$0x6], $0x5000, $0x38;
	[tilespmem:$0x1F400] =	vst v63  }
0x133: {  	_ =	swait.ge [sflag:s4], $0x5000  }
0x134: {  	[sflag:s4] =	ssyncset.done $0x0  }
0x135: {  	[sflag:s4] =	ssyncadd.s32 $0xFFFFB000  }
0x136: {  	[tilespmem:s13], [sflag:$0x1] =	stream.indirect.gather [hbm4b:s12+s14], $0x10, s25, s14, $0xb8;
	[tilespmem:$0x1F400] =	vst v63  }
0x137: {  	_ =	swait.ge [sflag:s18], $0x5000  }
0x138: {  	[sflag:s18] =	ssyncset.done $0x0  }
0x139: {  	s20 =	rddreg [dreg:$0xf];
	[sflag:s18] =	ssyncadd.s32 $0xFFFFB000  }
0x13a: {  	[hbm4b:s20+s2] =	stream.linear.scatter [tilespmem:s11], [sflag:$0x7], $0x5000, $0x38;
	[tilespmem:$0x1F400] =	vst v63  }
0x13b: {  	_ =	swait.ge [sflag:s5], $0x5000  }
0x13c: {  	[sflag:s5] =	ssyncset.done $0x0  }
0x13d: {  	[sflag:s5] =	ssyncadd.s32 $0xFFFFB000  }
0x13e: {  	[tilespmem:s11], [sflag:$0x2] =	stream.indirect.gather [hbm4b:s12+s14], $0x10, s24, s14, $0xb8;
	[tilespmem:$0x1F400] =	vst v63  }
0x13f: {  	_ =	swait.ge [sflag:s16], $0x5000  }
0x140: {  	[sflag:s16] =	ssyncset.done $0x0  }
0x141: {  	s20 =	rddreg [dreg:$0x10];
	[sflag:s16] =	ssyncadd.s32 $0xFFFFB000  }
0x142: {  	[hbm4b:s20+s2] =	stream.linear.scatter [tilespmem:s10], [sflag:$0x8], $0x5000, $0x38;
	[tilespmem:$0x1F400] =	vst v63  }
0x143: {  	_ =	swait.ge [sflag:s7], $0x5000  }
0x144: {  	[sflag:s7] =	ssyncset.done $0x0  }
0x145: {  	[sflag:s7] =	ssyncadd.s32 $0xFFFFB000  }
0x146: {  	[tilespmem:s10], [sflag:$0x3] =	stream.indirect.gather [hbm4b:s12+s14], $0x10, s23, s14, $0xb8;
	[tilespmem:$0x1F400] =	vst v63  }
0x147: {  	_ =	swait.ge [sflag:s17], $0x5000  }
0x148: {  	[sflag:s17] =	ssyncset.done $0x0  }
0x149: {  	s20 =	rddreg [dreg:$0x11];
	[sflag:s17] =	ssyncadd.s32 $0xFFFFB000  }
0x14a: {  	[hbm4b:s20+s2] =	stream.linear.scatter [tilespmem:s6], [sflag:$0x9], $0x5000, $0x38;
	[tilespmem:$0x1F400] =	vst v63  }
0x14b: {  	_ =	swait.ge [sflag:s8], $0x5000  }
0x14c: {  	[sflag:s8] =	ssyncset.done $0x0  }
0x14d: {  	[sflag:s8] =	ssyncadd.s32 $0xFFFFB000  }
0x14e: {  	[tilespmem:s6], [sflag:$0x4] =	stream.indirect.gather [hbm4b:s12+s14], $0x10, s22, s14, $0xb8;
	[tilespmem:$0x1F400] =	vst v63  }
0x14f: {  	_ =	swait.ge [sflag:s15], $0x5000  }
0x150: {  	[sflag:s15] =	ssyncset.done $0x0  }
0x151: {  	s20 =	rddreg [dreg:$0x12];
	[sflag:s15] =	ssyncadd.s32 $0xFFFFB000  }
0x152: {  	[hbm4b:s20+s2] =	stream.linear.scatter [tilespmem:s3], [sflag:$0xA], $0x5000, $0x38;
	[tilespmem:$0x1F400] =	vst v63  }
0x153: {  	_ =	swait.ge [sflag:s9], $0x5000  }
0x154: {  	[sflag:s9] =	ssyncset.done $0x0  }
0x155: {  	[sflag:s9] =	ssyncadd.s32 $0xFFFFB000  }
0x156: {  	[tilespmem:s3], [sflag:$0x5] =	stream.indirect.gather [hbm4b:s12+s14], $0x10, s21, s14, $0xb8;
	[tilespmem:$0x1F400] =	vst v63  }
0x157: {  	_ =	swait.ge [sflag:s19], $0x5000  }
0x158: {  	[sflag:s19] =	ssyncset.done $0x0  }
0x159: {  	s20 =	rddreg [dreg:$0x13];
	[sflag:s19] =	ssyncadd.s32 $0xFFFFB000  }
0x15a: {  	[hbm4b:s20+s2] =	stream.linear.scatter [tilespmem:s13], [sflag:$0x6], $0x5000, $0x38;
	[tilespmem:$0x1F400] =	vst v63  }
0x15b: {  	_ =	swait.ge [sflag:s18], $0x5000  }
0x15c: {  	[sflag:s18] =	ssyncset.done $0x0  }
0x15d: {  	s20 =	rddreg [dreg:$0x14];
	[sflag:s18] =	ssyncadd.s32 $0xFFFFB000  }
0x15e: {  	[hbm4b:s20+s2] =	stream.linear.scatter [tilespmem:s11], [sflag:$0x7], $0x5000, $0x38;
	[tilespmem:$0x1F400] =	vst v63  }
0x15f: {  	_ =	swait.ge [sflag:s16], $0x5000  }
0x160: {  	[sflag:s16] =	ssyncset.done $0x0  }
0x161: {  	s20 =	rddreg [dreg:$0x15];
	[sflag:s16] =	ssyncadd.s32 $0xFFFFB000  }
0x162: {  	[hbm4b:s20+s2] =	stream.linear.scatter [tilespmem:s10], [sflag:$0x8], $0x5000, $0x38;
	[tilespmem:$0x1F400] =	vst v63  }
0x163: {  	_ =	swait.ge [sflag:s17], $0x5000  }
0x164: {  	[sflag:s17] =	ssyncset.done $0x0  }
0x165: {  	s20 =	rddreg [dreg:$0x16];
	[sflag:s17] =	ssyncadd.s32 $0xFFFFB000  }
0x166: {  	[hbm4b:s20+s2] =	stream.linear.scatter [tilespmem:s6], [sflag:$0x9], $0x5000, $0x38;
	[tilespmem:$0x1F400] =	vst v63  }
0x167: {  	_ =	swait.ge [sflag:s15], $0x5000  }
0x168: {  	[sflag:s15] =	ssyncset.done $0x0  }
0x169: {  	s20 =	rddreg [dreg:$0x17];
	[sflag:s15] =	ssyncadd.s32 $0xFFFFB000  }
0x16a: {  	[hbm4b:s20+s2] =	stream.linear.scatter [tilespmem:s3], [sflag:$0xA], $0x5000, $0x38;
	[tilespmem:$0x1F400] =	vst v63  }
0x16b: {  	_ =	swait.ge [sflag:s4], $0x5000  }
0x16c: {  	[sflag:s4] =	ssyncset.done $0x0  }
0x16d: {  	[sflag:s4] =	ssyncadd.s32 $0xFFFFB000  }
0x16e: {  	_ =	swait.ge [sflag:s5], $0x5000  }
0x16f: {  	[sflag:s5] =	ssyncset.done $0x0  }
0x170: {  	[sflag:s5] =	ssyncadd.s32 $0xFFFFB000  }
0x171: {  	_ =	swait.ge [sflag:s7], $0x5000  }
0x172: {  	[sflag:s7] =	ssyncset.done $0x0  }
0x173: {  	p1 =	sne.s32 s1, $0x1;
	[sflag:s7] =	ssyncadd.s32 $0xFFFFB000  }
.Ltmp2:
0x174: {  	_ =	swait.ge [sflag:s8], $0x5000;
	(pc) =	sbr.rel @p1 .LBB2_4-.Ltmp2, $4  }
0x175: {  	[sflag:s8] =	ssyncset.done $0x0  }
0x176: {  	[sflag:s8] =	ssyncadd.s32 $0xFFFFB000  }
0x177: {  	_ =	swait.ge [sflag:s9], $0x5000  }
0x178: {  	s1 =	sadd.s32 $0xFFFFFFFF, s1;
	s0 =	rddreg [dreg:$0x3];
	[sflag:s9] =	ssyncset.done $0x0  }
0x179: {  	s21 =	simm.s32 $0x3200  }
0x17a: {  	s30 =	simm.s32 $0x3700;
	s29 =	simm.s32 $0x3C00;
	s28 =	simm.s32 $0x4100  }
0x17b: {  	s26 =	simm.s32 $0x4600;
	s25 =	simm.s32 $0x4B00;
	s24 =	simm.s32 $0x5000  }
0x17c: {  	s23 =	simm.s32 $0x5500;
	s22 =	simm.s32 $0x5A00;
	s20 =	stileid.u32  }
.LBB2_6:
0x17d: {  	[sflag:s9] =	ssyncadd.s32 @p0 $0xFFFFB000  }
0x17e: {  	[tilespmem:s2], [sflag:$0xB] =	stream.linear.gather [hbm4b:s0+s2], $0x6400, $0x38;
	[tilespmem:$0x1F400] =	vst v63  }
0x17f: {  	_ =	swait.ge [sflag:s31], $0x6400  }
0x180: {  	[sflag:s31] =	ssyncset.done $0x0  }
0x181: {  	[sflag:s31] =	ssyncadd.s32 $0xFFFF9C00  }
0x182: {  	[tilespmem:s13], [sflag:$0x1] =	stream.indirect.gather [hbm4b:s12+s14], $0x10, s2, s14, $0xb8;
	[tilespmem:$0x1F400] =	vst v63  }
0x183: {  	_ = 	snop  }
0x184: {  	[tilespmem:s11], [sflag:$0x2] =	stream.indirect.gather [hbm4b:s12+s14], $0x10, s14, s14, $0xb8;
	[tilespmem:$0x1F400] =	vst v63  }
0x185: {  	s31 =	rddreg [dreg:$0x18]  }
0x186: {  	[tilespmem:s10], [sflag:$0x3] =	stream.indirect.gather [hbm4b:s12+s14], $0x10, s31, s14, $0xb8;
	[tilespmem:$0x1F400] =	vst v63  }
0x187: {  	s1 =	rddreg [dreg:$0x19]  }
0x188: {  	[tilespmem:s6], [sflag:$0x4] =	stream.indirect.gather [hbm4b:s12+s14], $0x10, s1, s14, $0xb8;
	[tilespmem:$0x1F400] =	vst v63  }
0x189: {  	s31 =	rddreg [dreg:$0x1a]  }
0x18a: {  	[tilespmem:s3], [sflag:$0x5] =	stream.indirect.gather [hbm4b:s12+s14], $0x10, s31, s14, $0xb8;
	[tilespmem:$0x1F400] =	vst v63  }
0x18b: {  	_ =	swait.ge [sflag:s19], $0x5000  }
0x18c: {  	[sflag:s19] =	ssyncset.done $0x0  }
0x18d: {  	s31 =	rddreg [dreg:$0x4];
	[sflag:s19] =	ssyncadd.s32 $0xFFFFB000  }
0x18e: {  	[hbm4b:s31+s2] =	stream.linear.scatter [tilespmem:s13], [sflag:$0x6], $0x5000, $0x38;
	[tilespmem:$0x1F400] =	vst v63  }
0x18f: {  	_ =	swait.ge [sflag:s4], $0x5000  }
0x190: {  	[sflag:s4] =	ssyncset.done $0x0  }
0x191: {  	s1 =	rddreg [dreg:$0x1b];
	[sflag:s4] =	ssyncadd.s32 $0xFFFFB000  }
0x192: {  	[tilespmem:s13], [sflag:$0x1] =	stream.indirect.gather [hbm4b:s12+s14], $0x10, s1, s14, $0xb8;
	[tilespmem:$0x1F400] =	vst v63  }
0x193: {  	_ =	swait.ge [sflag:s18], $0x5000  }
0x194: {  	[sflag:s18] =	ssyncset.done $0x0  }
0x195: {  	s31 =	rddreg [dreg:$0x5];
	[sflag:s18] =	ssyncadd.s32 $0xFFFFB000  }
0x196: {  	[hbm4b:s31+s2] =	stream.linear.scatter [tilespmem:s11], [sflag:$0x7], $0x5000, $0x38;
	[tilespmem:$0x1F400] =	vst v63  }
0x197: {  	_ =	swait.ge [sflag:s5], $0x5000  }
0x198: {  	[sflag:s5] =	ssyncset.done $0x0  }
0x199: {  	s1 =	rddreg [dreg:$0x1c];
	[sflag:s5] =	ssyncadd.s32 $0xFFFFB000  }
0x19a: {  	[tilespmem:s11], [sflag:$0x2] =	stream.indirect.gather [hbm4b:s12+s14], $0x10, s1, s14, $0xb8;
	[tilespmem:$0x1F400] =	vst v63  }
0x19b: {  	_ =	swait.ge [sflag:s16], $0x5000  }
0x19c: {  	[sflag:s16] =	ssyncset.done $0x0  }
0x19d: {  	s31 =	rddreg [dreg:$0x6];
	[sflag:s16] =	ssyncadd.s32 $0xFFFFB000  }
0x19e: {  	[hbm4b:s31+s2] =	stream.linear.scatter [tilespmem:s10], [sflag:$0x8], $0x5000, $0x38;
	[tilespmem:$0x1F400] =	vst v63  }
0x19f: {  	_ =	swait.ge [sflag:s7], $0x5000  }
0x1a0: {  	[sflag:s7] =	ssyncset.done $0x0  }
0x1a1: {  	s1 =	rddreg [dreg:$0x1d];
	[sflag:s7] =	ssyncadd.s32 $0xFFFFB000  }
0x1a2: {  	[tilespmem:s10], [sflag:$0x3] =	stream.indirect.gather [hbm4b:s12+s14], $0x10, s1, s14, $0xb8;
	[tilespmem:$0x1F400] =	vst v63  }
0x1a3: {  	_ =	swait.ge [sflag:s17], $0x5000  }
0x1a4: {  	[sflag:s17] =	ssyncset.done $0x0  }
0x1a5: {  	s31 =	rddreg [dreg:$0x7];
	[sflag:s17] =	ssyncadd.s32 $0xFFFFB000  }
0x1a6: {  	[hbm4b:s31+s2] =	stream.linear.scatter [tilespmem:s6], [sflag:$0x9], $0x5000, $0x38;
	[tilespmem:$0x1F400] =	vst v63  }
0x1a7: {  	_ =	swait.ge [sflag:s8], $0x5000  }
0x1a8: {  	[sflag:s8] =	ssyncset.done $0x0  }
0x1a9: {  	s1 =	rddreg [dreg:$0x1e];
	[sflag:s8] =	ssyncadd.s32 $0xFFFFB000  }
0x1aa: {  	[tilespmem:s6], [sflag:$0x4] =	stream.indirect.gather [hbm4b:s12+s14], $0x10, s1, s14, $0xb8;
	[tilespmem:$0x1F400] =	vst v63  }
0x1ab: {  	_ =	swait.ge [sflag:s15], $0x5000  }
0x1ac: {  	[sflag:s15] =	ssyncset.done $0x0  }
0x1ad: {  	s31 =	rddreg [dreg:$0x8];
	[sflag:s15] =	ssyncadd.s32 $0xFFFFB000  }
0x1ae: {  	[hbm4b:s31+s2] =	stream.linear.scatter [tilespmem:s3], [sflag:$0xA], $0x5000, $0x38;
	[tilespmem:$0x1F400] =	vst v63  }
0x1af: {  	_ =	swait.ge [sflag:s9], $0x5000  }
0x1b0: {  	[sflag:s9] =	ssyncset.done $0x0  }
0x1b1: {  	s1 =	rddreg [dreg:$0x1f];
	[sflag:s9] =	ssyncadd.s32 $0xFFFFB000  }
0x1b2: {  	[tilespmem:s3], [sflag:$0x5] =	stream.indirect.gather [hbm4b:s12+s14], $0x10, s1, s14, $0xb8;
	[tilespmem:$0x1F400] =	vst v63  }
0x1b3: {  	_ =	swait.ge [sflag:s19], $0x5000  }
0x1b4: {  	[sflag:s19] =	ssyncset.done $0x0  }
0x1b5: {  	s31 =	rddreg [dreg:$0x9];
	[sflag:s19] =	ssyncadd.s32 $0xFFFFB000  }
0x1b6: {  	[hbm4b:s31+s2] =	stream.linear.scatter [tilespmem:s13], [sflag:$0x6], $0x5000, $0x38;
	[tilespmem:$0x1F400] =	vst v63  }
0x1b7: {  	_ =	swait.ge [sflag:s4], $0x5000  }
0x1b8: {  	[sflag:s4] =	ssyncset.done $0x0  }
0x1b9: {  	[sflag:s4] =	ssyncadd.s32 $0xFFFFB000  }
0x1ba: {  	[tilespmem:s13], [sflag:$0x1] =	stream.indirect.gather [hbm4b:s12+s14], $0x10, s21, s14, $0xb8;
	[tilespmem:$0x1F400] =	vst v63  }
0x1bb: {  	_ =	swait.ge [sflag:s18], $0x5000  }
0x1bc: {  	[sflag:s18] =	ssyncset.done $0x0  }
0x1bd: {  	s1 =	rddreg [dreg:$0xa];
	[sflag:s18] =	ssyncadd.s32 $0xFFFFB000  }
0x1be: {  	[hbm4b:s1+s2] =	stream.linear.scatter [tilespmem:s11], [sflag:$0x7], $0x5000, $0x38;
	[tilespmem:$0x1F400] =	vst v63  }
0x1bf: {  	_ =	swait.ge [sflag:s5], $0x5000  }
0x1c0: {  	[sflag:s5] =	ssyncset.done $0x0  }
0x1c1: {  	[sflag:s5] =	ssyncadd.s32 $0xFFFFB000  }
0x1c2: {  	[tilespmem:s11], [sflag:$0x2] =	stream.indirect.gather [hbm4b:s12+s14], $0x10, s30, s14, $0xb8;
	[tilespmem:$0x1F400] =	vst v63  }
0x1c3: {  	_ =	swait.ge [sflag:s16], $0x5000  }
0x1c4: {  	[sflag:s16] =	ssyncset.done $0x0  }
0x1c5: {  	s21 =	rddreg [dreg:$0xb];
	[sflag:s16] =	ssyncadd.s32 $0xFFFFB000  }
0x1c6: {  	[hbm4b:s21+s2] =	stream.linear.scatter [tilespmem:s10], [sflag:$0x8], $0x5000, $0x38;
	[tilespmem:$0x1F400] =	vst v63  }
0x1c7: {  	_ =	swait.ge [sflag:s7], $0x5000  }
0x1c8: {  	[sflag:s7] =	ssyncset.done $0x0  }
0x1c9: {  	[sflag:s7] =	ssyncadd.s32 $0xFFFFB000  }
0x1ca: {  	[tilespmem:s10], [sflag:$0x3] =	stream.indirect.gather [hbm4b:s12+s14], $0x10, s29, s14, $0xb8;
	[tilespmem:$0x1F400] =	vst v63  }
0x1cb: {  	_ =	swait.ge [sflag:s17], $0x5000  }
0x1cc: {  	[sflag:s17] =	ssyncset.done $0x0  }
0x1cd: {  	s29 =	rddreg [dreg:$0xc];
	[sflag:s17] =	ssyncadd.s32 $0xFFFFB000  }
0x1ce: {  	[hbm4b:s29+s2] =	stream.linear.scatter [tilespmem:s6], [sflag:$0x9], $0x5000, $0x38;
	[tilespmem:$0x1F400] =	vst v63  }
0x1cf: {  	_ =	swait.ge [sflag:s8], $0x5000  }
0x1d0: {  	[sflag:s8] =	ssyncset.done $0x0  }
0x1d1: {  	[sflag:s8] =	ssyncadd.s32 $0xFFFFB000  }
0x1d2: {  	[tilespmem:s6], [sflag:$0x4] =	stream.indirect.gather [hbm4b:s12+s14], $0x10, s28, s14, $0xb8;
	[tilespmem:$0x1F400] =	vst v63  }
0x1d3: {  	_ =	swait.ge [sflag:s15], $0x5000  }
0x1d4: {  	[sflag:s15] =	ssyncset.done $0x0  }
0x1d5: {  	s30 =	rddreg [dreg:$0xd];
	[sflag:s15] =	ssyncadd.s32 $0xFFFFB000  }
0x1d6: {  	[hbm4b:s30+s2] =	stream.linear.scatter [tilespmem:s3], [sflag:$0xA], $0x5000, $0x38;
	[tilespmem:$0x1F400] =	vst v63  }
0x1d7: {  	_ =	swait.ge [sflag:s9], $0x5000  }
0x1d8: {  	[sflag:s9] =	ssyncset.done $0x0  }
0x1d9: {  	[sflag:s9] =	ssyncadd.s32 $0xFFFFB000  }
0x1da: {  	[tilespmem:s3], [sflag:$0x5] =	stream.indirect.gather [hbm4b:s12+s14], $0x10, s26, s14, $0xb8;
	[tilespmem:$0x1F400] =	vst v63  }
0x1db: {  	_ =	swait.ge [sflag:s19], $0x5000  }
0x1dc: {  	[sflag:s19] =	ssyncset.done $0x0  }
0x1dd: {  	s31 =	rddreg [dreg:$0xe];
	[sflag:s19] =	ssyncadd.s32 $0xFFFFB000  }
0x1de: {  	[hbm4b:s31+s2] =	stream.linear.scatter [tilespmem:s13], [sflag:$0x6], $0x5000, $0x38;
	[tilespmem:$0x1F400] =	vst v63  }
0x1df: {  	_ =	swait.ge [sflag:s4], $0x5000  }
0x1e0: {  	[sflag:s4] =	ssyncset.done $0x0  }
0x1e1: {  	[sflag:s4] =	ssyncadd.s32 $0xFFFFB000  }
0x1e2: {  	[tilespmem:s13], [sflag:$0x1] =	stream.indirect.gather [hbm4b:s12+s14], $0x10, s25, s14, $0xb8;
	[tilespmem:$0x1F400] =	vst v63  }
0x1e3: {  	_ =	swait.ge [sflag:s18], $0x5000  }
0x1e4: {  	[sflag:s18] =	ssyncset.done $0x0  }
0x1e5: {  	s1 =	rddreg [dreg:$0xf];
	[sflag:s18] =	ssyncadd.s32 $0xFFFFB000  }
0x1e6: {  	[hbm4b:s1+s2] =	stream.linear.scatter [tilespmem:s11], [sflag:$0x7], $0x5000, $0x38;
	[tilespmem:$0x1F400] =	vst v63  }
0x1e7: {  	_ =	swait.ge [sflag:s5], $0x5000  }
0x1e8: {  	[sflag:s5] =	ssyncset.done $0x0  }
0x1e9: {  	[sflag:s5] =	ssyncadd.s32 $0xFFFFB000  }
0x1ea: {  	[tilespmem:s11], [sflag:$0x2] =	stream.indirect.gather [hbm4b:s12+s14], $0x10, s24, s14, $0xb8;
	[tilespmem:$0x1F400] =	vst v63  }
0x1eb: {  	_ =	swait.ge [sflag:s16], $0x5000  }
0x1ec: {  	[sflag:s16] =	ssyncset.done $0x0  }
0x1ed: {  	s21 =	rddreg [dreg:$0x10];
	[sflag:s16] =	ssyncadd.s32 $0xFFFFB000  }
0x1ee: {  	[hbm4b:s21+s2] =	stream.linear.scatter [tilespmem:s10], [sflag:$0x8], $0x5000, $0x38;
	[tilespmem:$0x1F400] =	vst v63  }
0x1ef: {  	_ =	swait.ge [sflag:s7], $0x5000  }
0x1f0: {  	[sflag:s7] =	ssyncset.done $0x0  }
0x1f1: {  	[sflag:s7] =	ssyncadd.s32 $0xFFFFB000  }
0x1f2: {  	[tilespmem:s10], [sflag:$0x3] =	stream.indirect.gather [hbm4b:s12+s14], $0x10, s23, s14, $0xb8;
	[tilespmem:$0x1F400] =	vst v63  }
0x1f3: {  	_ =	swait.ge [sflag:s17], $0x5000  }
0x1f4: {  	[sflag:s17] =	ssyncset.done $0x0  }
0x1f5: {  	s23 =	rddreg [dreg:$0x11];
	[sflag:s17] =	ssyncadd.s32 $0xFFFFB000  }
0x1f6: {  	[hbm4b:s23+s2] =	stream.linear.scatter [tilespmem:s6], [sflag:$0x9], $0x5000, $0x38;
	[tilespmem:$0x1F400] =	vst v63  }
0x1f7: {  	_ =	swait.ge [sflag:s8], $0x5000  }
0x1f8: {  	[sflag:s8] =	ssyncset.done $0x0  }
0x1f9: {  	[sflag:s8] =	ssyncadd.s32 $0xFFFFB000  }
0x1fa: {  	[tilespmem:s6], [sflag:$0x4] =	stream.indirect.gather [hbm4b:s12+s14], $0x10, s22, s14, $0xb8;
	[tilespmem:$0x1F400] =	vst v63  }
0x1fb: {  	_ =	swait.ge [sflag:s15], $0x5000  }
0x1fc: {  	[sflag:s15] =	ssyncset.done $0x0  }
0x1fd: {  	s24 =	rddreg [dreg:$0x12];
	[sflag:s15] =	ssyncadd.s32 $0xFFFFB000  }
0x1fe: {  	[hbm4b:s24+s2] =	stream.linear.scatter [tilespmem:s3], [sflag:$0xA], $0x5000, $0x38;
	[tilespmem:$0x1F400] =	vst v63  }
0x1ff: {  	_ =	swait.ge [sflag:s9], $0x5000  }
0x200: {  	[sflag:s9] =	ssyncset.done $0x0  }
0x201: {  	s25 =	simm.s32 $0x5F00;
	[sflag:s9] =	ssyncadd.s32 $0xFFFFB000  }
0x202: {  	[tilespmem:s3], [sflag:$0x5] =	stream.indirect.gather [hbm4b:s12+s14], $0x10, s25, s14, $0xb8;
	[tilespmem:$0x1F400] =	vst v63  }
0x203: {  	_ =	swait.ge [sflag:s19], $0x5000  }
0x204: {  	[sflag:s19] =	ssyncset.done $0x0  }
0x205: {  	s26 =	rddreg [dreg:$0x13];
	[sflag:s19] =	ssyncadd.s32 $0xFFFFB000  }
0x206: {  	[hbm4b:s26+s2] =	stream.linear.scatter [tilespmem:s13], [sflag:$0x6], $0x5000, $0x38;
	[tilespmem:$0x1F400] =	vst v63  }
0x207: {  	_ =	swait.ge [sflag:s18], $0x5000  }
0x208: {  	[sflag:s18] =	ssyncset.done $0x0  }
0x209: {  	s28 =	rddreg [dreg:$0x14];
	[sflag:s18] =	ssyncadd.s32 $0xFFFFB000  }
0x20a: {  	[hbm4b:s28+s2] =	stream.linear.scatter [tilespmem:s11], [sflag:$0x7], $0x5000, $0x38;
	[tilespmem:$0x1F400] =	vst v63  }
0x20b: {  	_ =	swait.ge [sflag:s16], $0x5000  }
0x20c: {  	[sflag:s16] =	ssyncset.done $0x0  }
0x20d: {  	s29 =	rddreg [dreg:$0x15];
	[sflag:s16] =	ssyncadd.s32 $0xFFFFB000  }
0x20e: {  	[hbm4b:s29+s2] =	stream.linear.scatter [tilespmem:s10], [sflag:$0x8], $0x5000, $0x38;
	[tilespmem:$0x1F400] =	vst v63  }
0x20f: {  	_ =	swait.ge [sflag:s17], $0x5000  }
0x210: {  	[sflag:s17] =	ssyncset.done $0x0  }
0x211: {  	s30 =	rddreg [dreg:$0x16];
	[sflag:s17] =	ssyncadd.s32 $0xFFFFB000  }
0x212: {  	[hbm4b:s30+s2] =	stream.linear.scatter [tilespmem:s6], [sflag:$0x9], $0x5000, $0x38;
	[tilespmem:$0x1F400] =	vst v63  }
0x213: {  	_ =	swait.ge [sflag:s15], $0x5000  }
0x214: {  	[sflag:s15] =	ssyncset.done $0x0  }
0x215: {  	s31 =	rddreg [dreg:$0x17];
	[sflag:s15] =	ssyncadd.s32 $0xFFFFB000  }
0x216: {  	[hbm4b:s31+s2] =	stream.linear.scatter [tilespmem:s3], [sflag:$0xA], $0x5000, $0x38;
	[tilespmem:$0x1F400] =	vst v63  }
0x217: {  	_ =	swait.ge [sflag:s4], $0x5000  }
0x218: {  	[sflag:s4] =	ssyncset.done $0x0  }
0x219: {  	[sflag:s4] =	ssyncadd.s32 $0xFFFFB000  }
0x21a: {  	_ =	swait.ge [sflag:s5], $0x5000  }
0x21b: {  	[sflag:s5] =	ssyncset.done $0x0  }
0x21c: {  	[sflag:s5] =	ssyncadd.s32 $0xFFFFB000  }
0x21d: {  	_ =	swait.ge [sflag:s7], $0x5000  }
0x21e: {  	[sflag:s7] =	ssyncset.done $0x0  }
0x21f: {  	[sflag:s7] =	ssyncadd.s32 $0xFFFFB000  }
0x220: {  	_ =	swait.ge [sflag:s8], $0x5000  }
0x221: {  	[sflag:s8] =	ssyncset.done $0x0  }
0x222: {  	[sflag:s8] =	ssyncadd.s32 $0xFFFFB000  }
0x223: {  	_ =	swait.ge [sflag:s9], $0x5000  }
0x224: {  	[sflag:s9] =	ssyncset.done $0x0  }
0x225: {  	[sflag:s9] =	ssyncadd.s32 $0xFFFFB000  }
0x226: {  	_ =	sfence.sel $0x180000  }
0x227: {  	[bflag:$0x0] =	sbarrier.arrive $0xFFFF  }
0x228: {  	_ =	strace $0x90000047  }
0x229: {  	[bflag:$0x2] =	sbarrier.arrive $0xFFFF  }
0x22a: {  	p0 =	sne.s32 s20, $0x0;
	s0 =	rddreg [dreg:$0x2]  }
0x22b: {  	s0 =	sadd.s32 @!p0 $0x100000, s0  }
0x22c: {  	[sflag:s0] =	ssyncadd.tile.s32 @!p0 $0x1;
	_ =	shalt  }
.LBB2_1:
.Ltmp3:
0x22d: {  	(pc) =	sbr.rel .LBB2_6-.Ltmp3, $4  }
0x22e: {  	_ = 	snop  }
0x22f: {  	s21 =	simm.s32 $0x3200;
	s30 =	simm.s32 $0x3700;
	s29 =	simm.s32 $0x3C00  }
0x230: {  	s28 =	simm.s32 $0x4100;
	s26 =	simm.s32 $0x4600;
	s25 =	simm.s32 $0x4B00  }
0x231: {  	s24 =	simm.s32 $0x5000;
	s23 =	simm.s32 $0x5500;
	s22 =	simm.s32 $0x5A00  }
.LBB2_3:
.Ltmp4:
0x232: {  	(pc) =	sbr.rel .LBB2_6-.Ltmp4, $4  }
0x233: {  	s21 =	simm.s32 $0x3200  }
0x234: {  	s30 =	simm.s32 $0x3700;
	s29 =	simm.s32 $0x3C00;
	s28 =	simm.s32 $0x4100  }
0x235: {  	s26 =	simm.s32 $0x4600;
	s25 =	simm.s32 $0x4B00;
	s24 =	simm.s32 $0x5000  }
0x236: {  	s23 =	simm.s32 $0x5500;
	s22 =	simm.s32 $0x5A00;
	s20 =	stileid.u32  }
.Lfunc_end2:
_tile_overlayer_lowered:
.L_overlay_start_2:
0x237: {  	(tag) =	ssettag $0x2  }
0x238: {  	s0 =	rddreg [dreg:$0x0];
	s2 =	stileid.u32  }
0x239: {  	s1 =	rddreg [dreg:$0x1];
	p0 =	sne.s32 s2, $0x0  }
0x23a: {  	s3 =	rddreg [dreg:$0x2];
	[bflag:$0x3] =	sbarrier.arrive $0xFFFF;
	s2 =	simm.s32 @!p0 $0x1C0B  }
0x23b: {  	[timem:s3], [sflag:s2] =	dma.local @!p0 [hbm:s0], s1  }
0x23c: {  	s0 =	simm.s32 @!p0 $0xB  }
0x23d: {  	_ =	swait.ge @!p0 [sflag:s0], s1  }
0x23e: {  	s1 =	ssub.s32 @!p0 $0x0, s1;
	[sflag:s0] =	ssyncset.done @!p0 $0x0  }
0x23f: {  	[sflag:s0] =	ssyncadd.s32 @!p0 s1  }
0x240: {  	[bflag:$0x3] =	sbarrier.arrive $0xFFFF  }
0x241: {  	_ =	shalt  }

</sc_bundles>
